<compile_context>
chip_gen: v7x
topology: tpu7x:2x2x1
jax: 0.10.2.dev20260603
libtpu: 0.0.44.dev20260713+nightly
codegen_flags: <defaults>
</compile_context>

<pallas_src>
import jax
import jax.numpy as jnp
from jax.experimental import pallas as pl
from jax.experimental.pallas import tpu as pltpu
from jax.experimental.pallas import tpu_sc as plsc

NUM_FEATURES = 26
VOCAB = 100000
EMBED_DIM = 16
BATCH = 16384
NUM_IDX = BATCH * NUM_FEATURES
WINDOW = 128
SUPER_ROWS = NUM_FEATURES * VOCAB // 8
ROWS_PER_F = VOCAB // 8


def _repack_tables(tables):
    tab_t = jnp.transpose(tables, (0, 2, 1)).reshape(
        NUM_FEATURES // 2, 2, EMBED_DIM, VOCAB
    )

    def body(in_ref, out_ref):
        vcc = ROWS_PER_F // 4
        for ff in range(2):
            for c in range(4):
                t = jnp.concatenate(
                    [
                        in_ref[0, ff, :, pl.ds(j * ROWS_PER_F + c * vcc, vcc)]
                        for j in range(8)
                    ],
                    axis=0,
                )
                out_ref[
                    0, pl.ds(ff * ROWS_PER_F + c * vcc, vcc), :
                ] = jnp.transpose(t)

    out = pl.pallas_call(
        body,
        grid=(NUM_FEATURES // 2,),
        in_specs=[
            pl.BlockSpec((1, 2, EMBED_DIM, VOCAB), lambda f: (f, 0, 0, 0))
        ],
        out_specs=pl.BlockSpec((1, 2 * ROWS_PER_F, 128), lambda f: (f, 0, 0)),
        out_shape=jax.ShapeDtypeStruct(
            (NUM_FEATURES // 2, 2 * ROWS_PER_F, 128), jnp.float32
        ),
        compiler_params=pltpu.CompilerParams(
            dimension_semantics=("parallel",),
            vmem_limit_bytes=64 * 1024 * 1024,
        ),
    )(tab_t)
    return out.reshape(SUPER_ROWS, 128)


def kernel(categorical_features, tables):
    flat_tables = _repack_tables(tables).reshape(NUM_FEATURES * VOCAB, EMBED_DIM)
    offs = jnp.arange(NUM_FEATURES, dtype=jnp.int32) * ROWS_PER_F
    v = categorical_features.astype(jnp.int32)
    j, vm = jnp.divmod(v, ROWS_PER_F)
    flat_idx = (8 * (offs[None, :] + vm) + j).reshape(1, NUM_IDX)

    mesh = plsc.VectorSubcoreMesh(core_axis_name="core", subcore_axis_name="subcore")

    @pl.kernel(
        out_type=jax.ShapeDtypeStruct((NUM_IDX, EMBED_DIM), jnp.float32),
        mesh=mesh,
        compiler_params=pltpu.CompilerParams(use_tc_tiling_on_sc=False),
    )
    def gather_kernel(table_hbm, idx_hbm, out_hbm):
        def body(idx_vmem, out_vmem):
            pltpu.sync_copy(
                table_hbm.at[idx_vmem.at[0, pl.ds(0, WINDOW)]],
                out_vmem.at[pl.ds(0, WINDOW)],
            )
            pltpu.sync_copy(
                table_hbm.at[idx_vmem.at[0, pl.ds(WINDOW, WINDOW)]],
                out_vmem.at[pl.ds(WINDOW, WINDOW)],
            )

        pltpu.emit_pipeline(
            body,
            grid=(NUM_IDX // (2 * WINDOW),),
            in_specs=[pl.BlockSpec((1, 2 * WINDOW), index_map=lambda i: (0, i))],
            out_specs=[
                pl.BlockSpec((2 * WINDOW, EMBED_DIM), index_map=lambda i: (i, 0))
            ],
            core_axis_name=("core", "subcore"),
            dimension_semantics=(pltpu.PARALLEL,),
        )(idx_hbm, out_hbm)

    out = gather_kernel(flat_tables, flat_idx)
    return out.reshape(BATCH, NUM_FEATURES * EMBED_DIM)

# --- scband reference (transcript-rebuilt; emitter-appended) ---
"""Pipeline reference for scband-embedding-layer-53953379173066 (READ-ONLY COPY).

The authoritative reference and input builder live on the scoring server;
editing this copy changes nothing except your own understanding.
"""

import jax, jax.numpy as jnp
import numpy as np

NUM_FEATURES = 26
VOCAB = 100000
EMBED_DIM = 16
BATCH = 16384


def setup_inputs(seed: int = 0) -> dict:
    key = jax.random.key(seed)
    k1, k2 = jax.random.split(key)
    categorical_features = jax.random.randint(k1, (BATCH, NUM_FEATURES), 0, VOCAB)
    # 26 embedding tables, each [VOCAB, EMBED_DIM], stacked for convenience
    tables = jax.random.normal(k2, (NUM_FEATURES, VOCAB, EMBED_DIM), dtype=jnp.float32) * 0.01
    return {"categorical_features": categorical_features, "tables": tables}


def reference(categorical_features, tables):
    # Per-feature embedding lookup then concat along feature axis,
    # matching torch nn.Embedding per field + torch.cat(dim=1)
    embedded_list = []
    for i in range(NUM_FEATURES):
        embedded_list.append(jnp.take(tables[i], categorical_features[:, i], axis=0))
    embedded = jnp.concatenate(embedded_list, axis=1)
    return embedded

if __name__ == "__main__":
    import jax
    _d = setup_inputs()
    print(jax.jit(kernel)(*tuple(_d.values())))

</pallas_src>

<mosaic_0001>
#map = affine_map<(d0, d1) -> (0, 0)>
module attributes {stable_mosaic.version = 14 : i64} {
  func.func @gather_kernel(%arg0: i32, %arg1: i32, %arg2: memref<2600000x16xf32, #tpu.memory_space<hbm>>, %arg3: memref<1x425984xi32, #tpu.memory_space<hbm>>, %arg4: memref<425984x16xf32, #tpu.memory_space<hbm>>) attributes {dimension_semantics = [#tpu.dimension_semantics<core_parallel>, #tpu.dimension_semantics<subcore_parallel>], iteration_bounds = array<i64: 2, 16>, scalar_prefetch = 0 : i64, scratch_operands = 0 : i64, tpu.core_type = #tpu.core_type<sc_vector_subcore>, window_params = [{transform_indices = #map}, {transform_indices = #map}, {transform_indices = #map}]} {
    %mul3A = arith.constant 1 : i32
    %mul3A_0 = arith.muli %arg1, %mul3A : i32
    %add3A = arith.constant 0 : i32
    %add3A_1 = arith.addi %add3A, %mul3A_0 : i32
    %mul3A_2 = arith.constant 16 : i32
    %mul3A_3 = arith.muli %arg0, %mul3A_2 : i32
    %add3A_4 = arith.addi %add3A_1, %mul3A_3 : i32
    %mul3A_5 = arith.constant 52 : i32
    %mul3A_6 = arith.muli %add3A_4, %mul3A_5 : i32
    "tpu.region"() ({
      %run_scoped3A = memref.alloca() : memref<2x1x256xi32, #tpu.memory_space<vmem>>
      %run_scoped3A_7 = tpu.sem_alloc : memref<2x!tpu.dma_semaphore, #tpu.memory_space<semaphore_mem>>
      %run_scoped3A_8 = memref.alloca() : memref<2x256x16xf32, #tpu.memory_space<vmem>>
      %run_scoped3A_9 = tpu.sem_alloc : memref<2x!tpu.dma_semaphore, #tpu.memory_space<semaphore_mem>>
      %add3A_10 = arith.constant 0 : i32
      %add3A_11 = arith.addi %add3A_10, %mul3A_6 : i32
      %select_n3A = arith.constant true
      %select_n3A_12 = arith.constant 0 : i32
      %select_n3A_13 = arith.constant -1 : i32
      %select_n3A_14 = arith.select %select_n3A, %select_n3A_13, %select_n3A_12 : i32
      %eq3A = arith.constant -1 : i32
      %eq3A_15 = arith.cmpi eq, %select_n3A_14, %eq3A : i32
      %select_n3A_16 = arith.constant 51 : i32
      %select_n3A_17 = arith.select %eq3A_15, %select_n3A_16, %select_n3A_14 : i32
      %add3A_18 = arith.addi %select_n3A_17, %mul3A_6 : i32
      %select_n3A_19 = arith.constant true
      %select_n3A_20 = arith.constant 0 : i32
      %select_n3A_21 = arith.constant 1 : i32
      %select_n3A_22 = arith.select %select_n3A_19, %select_n3A_21, %select_n3A_20 : i32
      %eq3A_23 = arith.constant 52 : i32
      %eq3A_24 = arith.cmpi eq, %select_n3A_22, %eq3A_23 : i32
      %select_n3A_25 = arith.constant 0 : i32
      %select_n3A_26 = arith.select %eq3A_24, %select_n3A_25, %select_n3A_22 : i32
      %add3A_27 = arith.addi %select_n3A_26, %mul3A_6 : i32
      %add3A_28 = arith.constant 1 : i32
      %add3A_29 = arith.addi %select_n3A_26, %add3A_28 : i32
      %select_n3A_30 = arith.constant true
      %select_n3A_31 = arith.select %select_n3A_30, %add3A_29, %select_n3A_26 : i32
      %eq3A_32 = arith.constant 52 : i32
      %eq3A_33 = arith.cmpi eq, %select_n3A_31, %eq3A_32 : i32
      %select_n3A_34 = arith.constant 0 : i32
      %select_n3A_35 = arith.select %eq3A_33, %select_n3A_34, %select_n3A_31 : i32
      %add3A_36 = arith.addi %select_n3A_35, %mul3A_6 : i32
      "tpu.trace_start"() <{level = 10 : i32, message = "ep_initialize_0"}> : () -> ()
      %rem3A = arith.constant 0 : i32
      %rem3A_37 = arith.constant 2 : i32
      %rem3A_38 = arith.remui %rem3A, %rem3A_37 : i32
      %mul3A_39 = arith.constant 256 : i32
      %mul3A_40 = arith.muli %mul3A_39, %add3A_11 : i32
      %dma_start3A = arith.constant 0 : i32
      %dma_start3A_41 = arith.constant 0 : i32
      %dma_start3A_42 = tpu.memref_slice %run_scoped3A[%rem3A_38, %dma_start3A, %dma_start3A_41] : memref<2x1x256xi32, #tpu.memory_space<vmem>> -> memref<1x1x256xi32, #tpu.memory_space<vmem>>
      %dma_start3A_43 = tpu.memref_squeeze %dma_start3A_42 : memref<1x1x256xi32, #tpu.memory_space<vmem>> -> memref<1x256xi32, #tpu.memory_space<vmem>>
      %dma_start3A_44 = arith.constant 0 : i32
      %dma_start3A_45 = tpu.memref_slice %arg3[%dma_start3A_44, %mul3A_40] : memref<1x425984xi32, #tpu.memory_space<hbm>> -> memref<1x256xi32, #tpu.memory_space<hbm>>
      %dma_start3A_46 = tpu.memref_slice %run_scoped3A_7[%rem3A_38] : memref<2x!tpu.dma_semaphore, #tpu.memory_space<semaphore_mem>> -> memref<1x!tpu.dma_semaphore, #tpu.memory_space<semaphore_mem>>
      %dma_start3A_47 = tpu.memref_squeeze %dma_start3A_46 : memref<1x!tpu.dma_semaphore, #tpu.memory_space<semaphore_mem>> -> memref<!tpu.dma_semaphore, #tpu.memory_space<semaphore_mem>>
      %dma_start3A_48 = arith.constant 0 : i32
      %dma_start3A_49 = arith.constant 0 : i32
      %dma_start3A_50 = tpu.memref_slice %run_scoped3A[%rem3A_38, %dma_start3A_48, %dma_start3A_49] : memref<2x1x256xi32, #tpu.memory_space<vmem>> -> memref<1x1x256xi32, #tpu.memory_space<vmem>>
      %dma_start3A_51 = tpu.memref_squeeze %dma_start3A_50 : memref<1x1x256xi32, #tpu.memory_space<vmem>> -> memref<1x256xi32, #tpu.memory_space<vmem>>
      %dma_start3A_52 = arith.constant 0 : i32
      %dma_start3A_53 = tpu.memref_slice %arg3[%dma_start3A_52, %mul3A_40] : memref<1x425984xi32, #tpu.memory_space<hbm>> -> memref<1x256xi32, #tpu.memory_space<hbm>>
      tpu.enqueue_dma source(%dma_start3A_53 : memref<1x256xi32, #tpu.memory_space<hbm>>) target(%dma_start3A_51 : memref<1x256xi32, #tpu.memory_space<vmem>>) target_semaphore(%dma_start3A_47 : memref<!tpu.dma_semaphore, #tpu.memory_space<semaphore_mem>>)
      %add3A_54 = arith.constant 0 : i32
      %add3A_55 = arith.constant 1 : i32
      %add3A_56 = arith.addi %add3A_54, %add3A_55 : i32
      %select_n3A_57 = arith.constant true
      %select_n3A_58 = arith.constant 0 : i32
      %select_n3A_59 = arith.select %select_n3A_57, %add3A_56, %select_n3A_58 : i32
      "tpu.trace_stop"() : () -> ()
      %scan3A = arith.constant 0 : i32
      %scan3A_60 = arith.constant 0 : i32
      %scan3A_61 = arith.constant 0 : i32
      %scan3A_62 = arith.constant 0 : i32
      %scan3A_63 = arith.constant 0 : i32
      %scan3A_64 = arith.constant 52 : i32
      %scan3A_65 = arith.addi %scan3A_63, %scan3A_64 : i32
      %scan3A_66 = arith.constant 1 : i32
      %scan3A_67:5 = scf.for %scan3A_121 = %scan3A_63 to %scan3A_65 step %scan3A_66 iter_args(%scan3A_122 = %select_n3A_59, %scan3A_123 = %scan3A, %scan3A_124 = %scan3A_60, %scan3A_125 = %scan3A_61, %scan3A_126 = %scan3A_62) -> (i32, i32, i32, i32, i32)  : i32 {
        %eq3A_127 = arith.constant 0 : i32
        %eq3A_128 = arith.cmpi eq, %scan3A_121, %eq3A_127 : i32
        %eq3A_129 = arith.constant 51 : i32
        %eq3A_130 = arith.cmpi eq, %scan3A_121, %eq3A_129 : i32
        %add3A_131 = arith.addi %scan3A_126, %mul3A_6 : i32
        %sub3A_132 = arith.constant 1 : i32
        %sub3A_133 = arith.subi %scan3A_126, %sub3A_132 : i32
        %select_n3A_134 = arith.constant true
        %select_n3A_135 = arith.select %select_n3A_134, %sub3A_133, %scan3A_126 : i32
        %eq3A_136 = arith.constant -1 : i32
        %eq3A_137 = arith.cmpi eq, %select_n3A_135, %eq3A_136 : i32
        %select_n3A_138 = arith.constant 51 : i32
        %select_n3A_139 = arith.select %eq3A_137, %select_n3A_138, %select_n3A_135 : i32
        %add3A_140 = arith.addi %select_n3A_139, %mul3A_6 : i32
        %add3A_141 = arith.constant 1 : i32
        %add3A_142 = arith.addi %scan3A_126, %add3A_141 : i32
        %select_n3A_143 = arith.constant true
        %select_n3A_144 = arith.select %select_n3A_143, %add3A_142, %scan3A_126 : i32
        %eq3A_145 = arith.constant 52 : i32
        %eq3A_146 = arith.cmpi eq, %select_n3A_144, %eq3A_145 : i32
        %select_n3A_147 = arith.constant 0 : i32
        %select_n3A_148 = arith.select %eq3A_146, %select_n3A_147, %select_n3A_144 : i32
        %add3A_149 = arith.addi %select_n3A_148, %mul3A_6 : i32
        %add3A_150 = arith.constant 1 : i32
        %add3A_151 = arith.addi %select_n3A_148, %add3A_150 : i32
        %select_n3A_152 = arith.constant true
        %select_n3A_153 = arith.select %select_n3A_152, %add3A_151, %select_n3A_148 : i32
        %eq3A_154 = arith.constant 52 : i32
        %eq3A_155 = arith.cmpi eq, %select_n3A_153, %eq3A_154 : i32
        %select_n3A_156 = arith.constant 0 : i32
        %select_n3A_157 = arith.select %eq3A_155, %select_n3A_156, %select_n3A_153 : i32
        %add3A_158 = arith.addi %select_n3A_157, %mul3A_6 : i32
        %ne3A = arith.cmpi ne, %add3A_131, %add3A_149 : i32
        %or3A = arith.constant false
        %or3A_159 = arith.ori %or3A, %ne3A : i1
        %ge3A = arith.constant 51 : i32
        %ge3A_160 = arith.cmpi sge, %scan3A_121, %ge3A : i32
        %not3A = arith.constant true
        %not3A_161 = arith.xori %ge3A_160, %not3A : i1
        %and3A = arith.andi %or3A_159, %not3A_161 : i1
        %convert_element_type3A = arith.extui %and3A : i1 to i32
        %cond3A = arith.constant 0 : i32
        %cond3A_162 = arith.cmpi ne, %convert_element_type3A, %cond3A : i32
        scf.if %cond3A_162 {
          "tpu.trace_start"() <{level = 10 : i32, message = "ep_copy_in"}> : () -> ()
          %rem3A_265 = arith.constant 2 : i32
          %rem3A_266 = arith.remui %scan3A_122, %rem3A_265 : i32
          %mul3A_267 = arith.constant 256 : i32
          %mul3A_268 = arith.muli %mul3A_267, %add3A_149 : i32
          %dma_start3A_269 = arith.constant 0 : i32
          %dma_start3A_270 = arith.constant 0 : i32
          %dma_start3A_271 = tpu.memref_slice %run_scoped3A[%rem3A_266, %dma_start3A_269, %dma_start3A_270] : memref<2x1x256xi32, #tpu.memory_space<vmem>> -> memref<1x1x256xi32, #tpu.memory_space<vmem>>
          %dma_start3A_272 = tpu.memref_squeeze %dma_start3A_271 : memref<1x1x256xi32, #tpu.memory_space<vmem>> -> memref<1x256xi32, #tpu.memory_space<vmem>>
          %dma_start3A_273 = arith.constant 0 : i32
          %dma_start3A_274 = tpu.memref_slice %arg3[%dma_start3A_273, %mul3A_268] : memref<1x425984xi32, #tpu.memory_space<hbm>> -> memref<1x256xi32, #tpu.memory_space<hbm>>
          %dma_start3A_275 = tpu.memref_slice %run_scoped3A_7[%rem3A_266] : memref<2x!tpu.dma_semaphore, #tpu.memory_space<semaphore_mem>> -> memref<1x!tpu.dma_semaphore, #tpu.memory_space<semaphore_mem>>
          %dma_start3A_276 = tpu.memref_squeeze %dma_start3A_275 : memref<1x!tpu.dma_semaphore, #tpu.memory_space<semaphore_mem>> -> memref<!tpu.dma_semaphore, #tpu.memory_space<semaphore_mem>>
          %dma_start3A_277 = arith.constant 0 : i32
          %dma_start3A_278 = arith.constant 0 : i32
          %dma_start3A_279 = tpu.memref_slice %run_scoped3A[%rem3A_266, %dma_start3A_277, %dma_start3A_278] : memref<2x1x256xi32, #tpu.memory_space<vmem>> -> memref<1x1x256xi32, #tpu.memory_space<vmem>>
          %dma_start3A_280 = tpu.memref_squeeze %dma_start3A_279 : memref<1x1x256xi32, #tpu.memory_space<vmem>> -> memref<1x256xi32, #tpu.memory_space<vmem>>
          %dma_start3A_281 = arith.constant 0 : i32
          %dma_start3A_282 = tpu.memref_slice %arg3[%dma_start3A_281, %mul3A_268] : memref<1x425984xi32, #tpu.memory_space<hbm>> -> memref<1x256xi32, #tpu.memory_space<hbm>>
          tpu.enqueue_dma source(%dma_start3A_282 : memref<1x256xi32, #tpu.memory_space<hbm>>) target(%dma_start3A_280 : memref<1x256xi32, #tpu.memory_space<vmem>>) target_semaphore(%dma_start3A_276 : memref<!tpu.dma_semaphore, #tpu.memory_space<semaphore_mem>>)
          "tpu.trace_stop"() : () -> ()
        } else {
        }
        %and3A_163 = arith.constant true
        %and3A_164 = arith.andi %and3A, %and3A_163 : i1
        %add3A_165 = arith.constant 1 : i32
        %add3A_166 = arith.addi %scan3A_122, %add3A_165 : i32
        %select_n3A_167 = arith.select %and3A_164, %add3A_166, %scan3A_122 : i32
        %ne3A_168 = arith.cmpi ne, %add3A_131, %add3A_149 : i32
        %or3A_169 = arith.constant false
        %or3A_170 = arith.ori %or3A_169, %ne3A_168 : i1
        %or3A_171 = arith.constant false
        %or3A_172 = arith.ori %or3A_170, %or3A_171 : i1
        %ge3A_173 = arith.constant 51 : i32
        %ge3A_174 = arith.cmpi sge, %scan3A_121, %ge3A_173 : i32
        %not3A_175 = arith.constant true
        %not3A_176 = arith.xori %ge3A_174, %not3A_175 : i1
        %and3A_177 = arith.andi %or3A_172, %not3A_176 : i1
        %ne3A_178 = arith.cmpi ne, %add3A_131, %add3A_140 : i32
        %or3A_179 = arith.constant false
        %or3A_180 = arith.ori %or3A_179, %ne3A_178 : i1
        %or3A_181 = arith.ori %or3A_180, %eq3A_128 : i1
        %convert_element_type3A_182 = arith.extui %or3A_181 : i1 to i32
        %cond3A_183 = arith.constant 0 : i32
        %cond3A_184 = arith.cmpi ne, %convert_element_type3A_182, %cond3A_183 : i32
        scf.if %cond3A_184 {
          "tpu.trace_start"() <{level = 10 : i32, message = "ep_wait_in"}> : () -> ()
          %mul3A_265 = arith.constant 256 : i32
          %mul3A_266 = arith.muli %mul3A_265, %add3A_131 : i32
          %rem3A_267 = arith.constant 2 : i32
          %rem3A_268 = arith.remui %scan3A_123, %rem3A_267 : i32
          %dma_wait3A_269 = arith.constant 0 : i32
          %dma_wait3A_270 = arith.constant 0 : i32
          %dma_wait3A_271 = tpu.memref_slice %run_scoped3A[%rem3A_268, %dma_wait3A_269, %dma_wait3A_270] : memref<2x1x256xi32, #tpu.memory_space<vmem>> -> memref<1x1x256xi32, #tpu.memory_space<vmem>>
          %dma_wait3A_272 = tpu.memref_squeeze %dma_wait3A_271 : memref<1x1x256xi32, #tpu.memory_space<vmem>> -> memref<1x256xi32, #tpu.memory_space<vmem>>
          %dma_wait3A_273 = arith.constant 0 : i32
          %dma_wait3A_274 = tpu.memref_slice %arg3[%dma_wait3A_273, %mul3A_266] : memref<1x425984xi32, #tpu.memory_space<hbm>> -> memref<1x256xi32, #tpu.memory_space<hbm>>
          %dma_wait3A_275 = tpu.memref_slice %run_scoped3A_7[%rem3A_268] : memref<2x!tpu.dma_semaphore, #tpu.memory_space<semaphore_mem>> -> memref<1x!tpu.dma_semaphore, #tpu.memory_space<semaphore_mem>>
          %dma_wait3A_276 = tpu.memref_squeeze %dma_wait3A_275 : memref<1x!tpu.dma_semaphore, #tpu.memory_space<semaphore_mem>> -> memref<!tpu.dma_semaphore, #tpu.memory_space<semaphore_mem>>
          %dma_wait3A_277 = arith.constant 0 : i32
          %dma_wait3A_278 = arith.constant 0 : i32
          %dma_wait3A_279 = tpu.memref_slice %run_scoped3A[%rem3A_268, %dma_wait3A_277, %dma_wait3A_278] : memref<2x1x256xi32, #tpu.memory_space<vmem>> -> memref<1x1x256xi32, #tpu.memory_space<vmem>>
          %dma_wait3A_280 = tpu.memref_squeeze %dma_wait3A_279 : memref<1x1x256xi32, #tpu.memory_space<vmem>> -> memref<1x256xi32, #tpu.memory_space<vmem>>
          %dma_wait3A_281 = arith.constant 0 : i32
          %dma_wait3A_282 = tpu.memref_slice %arg3[%dma_wait3A_281, %mul3A_266] : memref<1x425984xi32, #tpu.memory_space<hbm>> -> memref<1x256xi32, #tpu.memory_space<hbm>>
          tpu.wait_dma2 semaphore(%dma_wait3A_276 : memref<!tpu.dma_semaphore, #tpu.memory_space<semaphore_mem>>) src(%dma_wait3A_282 : memref<1x256xi32, #tpu.memory_space<hbm>>) dst(%dma_wait3A_280 : memref<1x256xi32, #tpu.memory_space<vmem>>)
          "tpu.trace_stop"() : () -> ()
        } else {
        }
        %ne3A_185 = arith.cmpi ne, %add3A_131, %add3A_140 : i32
        %or3A_186 = arith.constant false
        %or3A_187 = arith.ori %or3A_186, %ne3A_185 : i1
        %or3A_188 = arith.constant false
        %or3A_189 = arith.ori %or3A_187, %or3A_188 : i1
        %or3A_190 = arith.ori %or3A_189, %eq3A_128 : i1
        %convert_element_type3A_191 = arith.extui %or3A_190 : i1 to i32
        %cond3A_192 = arith.constant 0 : i32
        %cond3A_193 = arith.cmpi ne, %convert_element_type3A_191, %cond3A_192 : i32
        scf.if %cond3A_193 {
        } else {
        }
        %rem3A_194 = arith.constant 2 : i32
        %rem3A_195 = arith.remui %scan3A_123, %rem3A_194 : i32
        %rem3A_196 = arith.constant 2 : i32
        %rem3A_197 = arith.remui %scan3A_124, %rem3A_196 : i32
        %run_scoped3A_198 = arith.constant 0 : i32
        "tpu.trace_start"() <{level = 10 : i32, message = "ep_run_kernel"}> : () -> ()
        "tpu.region"() ({
          %run_scoped3A_265 = tpu.sem_alloc : memref<!tpu.dma_semaphore, #tpu.memory_space<semaphore_mem>>
          %dma_start3A_266 = arith.constant 0 : i32
          %dma_start3A_267 = arith.constant 0 : i32
          %dma_start3A_268 = tpu.memref_slice %run_scoped3A_8[%rem3A_197, %dma_start3A_266, %dma_start3A_267] : memref<2x256x16xf32, #tpu.memory_space<vmem>> -> memref<1x256x16xf32, #tpu.memory_space<vmem>>
          %dma_start3A_269 = tpu.memref_squeeze %dma_start3A_268 : memref<1x256x16xf32, #tpu.memory_space<vmem>> -> memref<256x16xf32, #tpu.memory_space<vmem>>
          %dma_start3A_270 = arith.constant 0 : i32
          %dma_start3A_271 = arith.constant 0 : i32
          %dma_start3A_272 = tpu.memref_slice %dma_start3A_269[%dma_start3A_270, %dma_start3A_271] : memref<256x16xf32, #tpu.memory_space<vmem>> -> memref<128x16xf32, #tpu.memory_space<vmem>>
          %dma_start3A_273 = arith.constant 0 : i32
          %dma_start3A_274 = arith.constant 0 : i32
          %dma_start3A_275 = tpu.memref_slice %run_scoped3A[%rem3A_195, %dma_start3A_273, %dma_start3A_274] : memref<2x1x256xi32, #tpu.memory_space<vmem>> -> memref<1x1x256xi32, #tpu.memory_space<vmem>>
          %dma_start3A_276 = tpu.memref_squeeze %dma_start3A_275 : memref<1x1x256xi32, #tpu.memory_space<vmem>> -> memref<1x256xi32, #tpu.memory_space<vmem>>
          %dma_start3A_277 = arith.constant 0 : i32
          %dma_start3A_278 = tpu.memref_slice %dma_start3A_276[%run_scoped3A_198, %dma_start3A_277] : memref<1x256xi32, #tpu.memory_space<vmem>> -> memref<1x128xi32, #tpu.memory_space<vmem>>
          %dma_start3A_279 = tpu.memref_squeeze %dma_start3A_278 : memref<1x128xi32, #tpu.memory_space<vmem>> -> memref<128xi32, #tpu.memory_space<vmem>>
          %dma_start3A_280 = arith.constant 0 : i32
          %dma_start3A_281 = arith.constant 0 : i32
          %dma_start3A_282 = tpu.memref_slice %arg2[%dma_start3A_280, %dma_start3A_281] : memref<2600000x16xf32, #tpu.memory_space<hbm>> -> memref<2600000x16xf32, #tpu.memory_space<hbm>>
          tpu.enqueue_indirect_dma source(%dma_start3A_282 : memref<2600000x16xf32, #tpu.memory_space<hbm>>) target(%dma_start3A_272 : memref<128x16xf32, #tpu.memory_space<vmem>>) offsets(%dma_start3A_279 : memref<128xi32, #tpu.memory_space<vmem>>) semaphore(%run_scoped3A_265 : memref<!tpu.dma_semaphore, #tpu.memory_space<semaphore_mem>>)
          %dma_wait3A_283 = arith.constant 0 : i32
          %dma_wait3A_284 = arith.constant 0 : i32
          %dma_wait3A_285 = tpu.memref_slice %run_scoped3A_8[%rem3A_197, %dma_wait3A_283, %dma_wait3A_284] : memref<2x256x16xf32, #tpu.memory_space<vmem>> -> memref<1x256x16xf32, #tpu.memory_space<vmem>>
          %dma_wait3A_286 = tpu.memref_squeeze %dma_wait3A_285 : memref<1x256x16xf32, #tpu.memory_space<vmem>> -> memref<256x16xf32, #tpu.memory_space<vmem>>
          %dma_wait3A_287 = arith.constant 0 : i32
          %dma_wait3A_288 = arith.constant 0 : i32
          %dma_wait3A_289 = tpu.memref_slice %dma_wait3A_286[%dma_wait3A_287, %dma_wait3A_288] : memref<256x16xf32, #tpu.memory_space<vmem>> -> memref<128x16xf32, #tpu.memory_space<vmem>>
          %dma_wait3A_290 = arith.constant 0 : i32
          %dma_wait3A_291 = arith.constant 0 : i32
          %dma_wait3A_292 = tpu.memref_slice %run_scoped3A[%rem3A_195, %dma_wait3A_290, %dma_wait3A_291] : memref<2x1x256xi32, #tpu.memory_space<vmem>> -> memref<1x1x256xi32, #tpu.memory_space<vmem>>
          %dma_wait3A_293 = tpu.memref_squeeze %dma_wait3A_292 : memref<1x1x256xi32, #tpu.memory_space<vmem>> -> memref<1x256xi32, #tpu.memory_space<vmem>>
          %dma_wait3A_294 = arith.constant 0 : i32
          %dma_wait3A_295 = tpu.memref_slice %dma_wait3A_293[%run_scoped3A_198, %dma_wait3A_294] : memref<1x256xi32, #tpu.memory_space<vmem>> -> memref<1x128xi32, #tpu.memory_space<vmem>>
          %dma_wait3A_296 = tpu.memref_squeeze %dma_wait3A_295 : memref<1x128xi32, #tpu.memory_space<vmem>> -> memref<128xi32, #tpu.memory_space<vmem>>
          %dma_wait3A_297 = arith.constant 0 : i32
          %dma_wait3A_298 = arith.constant 0 : i32
          %dma_wait3A_299 = tpu.memref_slice %arg2[%dma_wait3A_297, %dma_wait3A_298] : memref<2600000x16xf32, #tpu.memory_space<hbm>> -> memref<2600000x16xf32, #tpu.memory_space<hbm>>
          tpu.wait_indirect_dma semaphore(%run_scoped3A_265 : memref<!tpu.dma_semaphore, #tpu.memory_space<semaphore_mem>>) src(%dma_wait3A_299 : memref<2600000x16xf32, #tpu.memory_space<hbm>>) dst(%dma_wait3A_289 : memref<128x16xf32, #tpu.memory_space<vmem>>)
          tpu.yield
        }) : () -> ()
        %run_scoped3A_199 = arith.constant 0 : i32
        "tpu.region"() ({
          %run_scoped3A_265 = tpu.sem_alloc : memref<!tpu.dma_semaphore, #tpu.memory_space<semaphore_mem>>
          %dma_start3A_266 = arith.constant 0 : i32
          %dma_start3A_267 = arith.constant 0 : i32
          %dma_start3A_268 = tpu.memref_slice %run_scoped3A_8[%rem3A_197, %dma_start3A_266, %dma_start3A_267] : memref<2x256x16xf32, #tpu.memory_space<vmem>> -> memref<1x256x16xf32, #tpu.memory_space<vmem>>
          %dma_start3A_269 = tpu.memref_squeeze %dma_start3A_268 : memref<1x256x16xf32, #tpu.memory_space<vmem>> -> memref<256x16xf32, #tpu.memory_space<vmem>>
          %dma_start3A_270 = arith.constant 128 : i32
          %dma_start3A_271 = arith.constant 0 : i32
          %dma_start3A_272 = tpu.memref_slice %dma_start3A_269[%dma_start3A_270, %dma_start3A_271] : memref<256x16xf32, #tpu.memory_space<vmem>> -> memref<128x16xf32, #tpu.memory_space<vmem>>
          %dma_start3A_273 = arith.constant 0 : i32
          %dma_start3A_274 = arith.constant 0 : i32
          %dma_start3A_275 = tpu.memref_slice %run_scoped3A[%rem3A_195, %dma_start3A_273, %dma_start3A_274] : memref<2x1x256xi32, #tpu.memory_space<vmem>> -> memref<1x1x256xi32, #tpu.memory_space<vmem>>
          %dma_start3A_276 = tpu.memref_squeeze %dma_start3A_275 : memref<1x1x256xi32, #tpu.memory_space<vmem>> -> memref<1x256xi32, #tpu.memory_space<vmem>>
          %dma_start3A_277 = arith.constant 128 : i32
          %dma_start3A_278 = tpu.memref_slice %dma_start3A_276[%run_scoped3A_199, %dma_start3A_277] : memref<1x256xi32, #tpu.memory_space<vmem>> -> memref<1x128xi32, #tpu.memory_space<vmem>>
          %dma_start3A_279 = tpu.memref_squeeze %dma_start3A_278 : memref<1x128xi32, #tpu.memory_space<vmem>> -> memref<128xi32, #tpu.memory_space<vmem>>
          %dma_start3A_280 = arith.constant 0 : i32
          %dma_start3A_281 = arith.constant 0 : i32
          %dma_start3A_282 = tpu.memref_slice %arg2[%dma_start3A_280, %dma_start3A_281] : memref<2600000x16xf32, #tpu.memory_space<hbm>> -> memref<2600000x16xf32, #tpu.memory_space<hbm>>
          tpu.enqueue_indirect_dma source(%dma_start3A_282 : memref<2600000x16xf32, #tpu.memory_space<hbm>>) target(%dma_start3A_272 : memref<128x16xf32, #tpu.memory_space<vmem>>) offsets(%dma_start3A_279 : memref<128xi32, #tpu.memory_space<vmem>>) semaphore(%run_scoped3A_265 : memref<!tpu.dma_semaphore, #tpu.memory_space<semaphore_mem>>)
          %dma_wait3A_283 = arith.constant 0 : i32
          %dma_wait3A_284 = arith.constant 0 : i32
          %dma_wait3A_285 = tpu.memref_slice %run_scoped3A_8[%rem3A_197, %dma_wait3A_283, %dma_wait3A_284] : memref<2x256x16xf32, #tpu.memory_space<vmem>> -> memref<1x256x16xf32, #tpu.memory_space<vmem>>
          %dma_wait3A_286 = tpu.memref_squeeze %dma_wait3A_285 : memref<1x256x16xf32, #tpu.memory_space<vmem>> -> memref<256x16xf32, #tpu.memory_space<vmem>>
          %dma_wait3A_287 = arith.constant 128 : i32
          %dma_wait3A_288 = arith.constant 0 : i32
          %dma_wait3A_289 = tpu.memref_slice %dma_wait3A_286[%dma_wait3A_287, %dma_wait3A_288] : memref<256x16xf32, #tpu.memory_space<vmem>> -> memref<128x16xf32, #tpu.memory_space<vmem>>
          %dma_wait3A_290 = arith.constant 0 : i32
          %dma_wait3A_291 = arith.constant 0 : i32
          %dma_wait3A_292 = tpu.memref_slice %run_scoped3A[%rem3A_195, %dma_wait3A_290, %dma_wait3A_291] : memref<2x1x256xi32, #tpu.memory_space<vmem>> -> memref<1x1x256xi32, #tpu.memory_space<vmem>>
          %dma_wait3A_293 = tpu.memref_squeeze %dma_wait3A_292 : memref<1x1x256xi32, #tpu.memory_space<vmem>> -> memref<1x256xi32, #tpu.memory_space<vmem>>
          %dma_wait3A_294 = arith.constant 128 : i32
          %dma_wait3A_295 = tpu.memref_slice %dma_wait3A_293[%run_scoped3A_199, %dma_wait3A_294] : memref<1x256xi32, #tpu.memory_space<vmem>> -> memref<1x128xi32, #tpu.memory_space<vmem>>
          %dma_wait3A_296 = tpu.memref_squeeze %dma_wait3A_295 : memref<1x128xi32, #tpu.memory_space<vmem>> -> memref<128xi32, #tpu.memory_space<vmem>>
          %dma_wait3A_297 = arith.constant 0 : i32
          %dma_wait3A_298 = arith.constant 0 : i32
          %dma_wait3A_299 = tpu.memref_slice %arg2[%dma_wait3A_297, %dma_wait3A_298] : memref<2600000x16xf32, #tpu.memory_space<hbm>> -> memref<2600000x16xf32, #tpu.memory_space<hbm>>
          tpu.wait_indirect_dma semaphore(%run_scoped3A_265 : memref<!tpu.dma_semaphore, #tpu.memory_space<semaphore_mem>>) src(%dma_wait3A_299 : memref<2600000x16xf32, #tpu.memory_space<hbm>>) dst(%dma_wait3A_289 : memref<128x16xf32, #tpu.memory_space<vmem>>)
          tpu.yield
        }) : () -> ()
        "tpu.trace_stop"() : () -> ()
        %ne3A_200 = arith.cmpi ne, %add3A_131, %add3A_149 : i32
        %or3A_201 = arith.constant false
        %or3A_202 = arith.ori %or3A_201, %ne3A_200 : i1
        %or3A_203 = arith.ori %or3A_202, %eq3A_130 : i1
        %convert_element_type3A_204 = arith.extui %or3A_203 : i1 to i32
        %cond3A_205 = arith.constant 0 : i32
        %cond3A_206 = arith.cmpi ne, %convert_element_type3A_204, %cond3A_205 : i32
        scf.if %cond3A_206 {
        } else {
        }
        %and3A_207 = arith.constant false
        %and3A_208 = arith.andi %or3A_203, %and3A_207 : i1
        %ne3A_209 = arith.cmpi ne, %add3A_131, %add3A_149 : i32
        %or3A_210 = arith.constant false
        %or3A_211 = arith.ori %or3A_210, %ne3A_209 : i1
        %or3A_212 = arith.constant false
        %or3A_213 = arith.ori %or3A_211, %or3A_212 : i1
        %or3A_214 = arith.ori %or3A_213, %eq3A_130 : i1
        %convert_element_type3A_215 = arith.extui %or3A_214 : i1 to i32
        %cond3A_216 = arith.constant 0 : i32
        %cond3A_217 = arith.cmpi ne, %convert_element_type3A_215, %cond3A_216 : i32
        scf.if %cond3A_217 {
          "tpu.trace_start"() <{level = 10 : i32, message = "ep_copy_out"}> : () -> ()
          %rem3A_265 = arith.constant 2 : i32
          %rem3A_266 = arith.remui %scan3A_124, %rem3A_265 : i32
          %mul3A_267 = arith.constant 256 : i32
          %mul3A_268 = arith.muli %mul3A_267, %add3A_131 : i32
          %dma_start3A_269 = arith.constant 0 : i32
          %dma_start3A_270 = arith.constant 0 : i32
          %dma_start3A_271 = tpu.memref_slice %run_scoped3A_8[%rem3A_266, %dma_start3A_269, %dma_start3A_270] : memref<2x256x16xf32, #tpu.memory_space<vmem>> -> memref<1x256x16xf32, #tpu.memory_space<vmem>>
          %dma_start3A_272 = tpu.memref_squeeze %dma_start3A_271 : memref<1x256x16xf32, #tpu.memory_space<vmem>> -> memref<256x16xf32, #tpu.memory_space<vmem>>
          %dma_start3A_273 = arith.constant 0 : i32
          %dma_start3A_274 = tpu.memref_slice %arg4[%mul3A_268, %dma_start3A_273] : memref<425984x16xf32, #tpu.memory_space<hbm>> -> memref<256x16xf32, #tpu.memory_space<hbm>>
          %dma_start3A_275 = tpu.memref_slice %run_scoped3A_9[%rem3A_266] : memref<2x!tpu.dma_semaphore, #tpu.memory_space<semaphore_mem>> -> memref<1x!tpu.dma_semaphore, #tpu.memory_space<semaphore_mem>>
          %dma_start3A_276 = tpu.memref_squeeze %dma_start3A_275 : memref<1x!tpu.dma_semaphore, #tpu.memory_space<semaphore_mem>> -> memref<!tpu.dma_semaphore, #tpu.memory_space<semaphore_mem>>
          %dma_start3A_277 = arith.constant 0 : i32
          %dma_start3A_278 = tpu.memref_slice %arg4[%mul3A_268, %dma_start3A_277] : memref<425984x16xf32, #tpu.memory_space<hbm>> -> memref<256x16xf32, #tpu.memory_space<hbm>>
          %dma_start3A_279 = arith.constant 0 : i32
          %dma_start3A_280 = arith.constant 0 : i32
          %dma_start3A_281 = tpu.memref_slice %run_scoped3A_8[%rem3A_266, %dma_start3A_279, %dma_start3A_280] : memref<2x256x16xf32, #tpu.memory_space<vmem>> -> memref<1x256x16xf32, #tpu.memory_space<vmem>>
          %dma_start3A_282 = tpu.memref_squeeze %dma_start3A_281 : memref<1x256x16xf32, #tpu.memory_space<vmem>> -> memref<256x16xf32, #tpu.memory_space<vmem>>
          tpu.enqueue_dma source(%dma_start3A_282 : memref<256x16xf32, #tpu.memory_space<vmem>>) target(%dma_start3A_278 : memref<256x16xf32, #tpu.memory_space<hbm>>) target_semaphore(%dma_start3A_276 : memref<!tpu.dma_semaphore, #tpu.memory_space<semaphore_mem>>)
          "tpu.trace_stop"() : () -> ()
        } else {
        }
        %and3A_218 = arith.constant true
        %and3A_219 = arith.andi %or3A_214, %and3A_218 : i1
        %add3A_220 = arith.constant 1 : i32
        %add3A_221 = arith.addi %scan3A_124, %add3A_220 : i32
        %select_n3A_222 = arith.select %and3A_219, %add3A_221, %scan3A_124 : i32
        %ne3A_223 = arith.cmpi ne, %add3A_131, %add3A_140 : i32
        %or3A_224 = arith.constant false
        %or3A_225 = arith.ori %or3A_224, %ne3A_223 : i1
        %not3A_226 = arith.constant true
        %not3A_227 = arith.xori %eq3A_128, %not3A_226 : i1
        %and3A_228 = arith.andi %or3A_225, %not3A_227 : i1
        %convert_element_type3A_229 = arith.extui %and3A_228 : i1 to i32
        %cond3A_230 = arith.constant 0 : i32
        %cond3A_231 = arith.cmpi ne, %convert_element_type3A_229, %cond3A_230 : i32
        scf.if %cond3A_231 {
        } else {
        }
        %and3A_232 = arith.constant false
        %and3A_233 = arith.andi %and3A_228, %and3A_232 : i1
        %ne3A_234 = arith.cmpi ne, %add3A_131, %add3A_140 : i32
        %or3A_235 = arith.constant false
        %or3A_236 = arith.ori %or3A_235, %ne3A_234 : i1
        %or3A_237 = arith.constant false
        %or3A_238 = arith.ori %or3A_236, %or3A_237 : i1
        %not3A_239 = arith.constant true
        %not3A_240 = arith.xori %eq3A_128, %not3A_239 : i1
        %and3A_241 = arith.andi %or3A_238, %not3A_240 : i1
        %convert_element_type3A_242 = arith.extui %and3A_241 : i1 to i32
        %cond3A_243 = arith.constant 0 : i32
        %cond3A_244 = arith.cmpi ne, %convert_element_type3A_242, %cond3A_243 : i32
        scf.if %cond3A_244 {
          "tpu.trace_start"() <{level = 10 : i32, message = "ep_wait_out"}> : () -> ()
          %rem3A_265 = arith.constant 2 : i32
          %rem3A_266 = arith.remui %scan3A_125, %rem3A_265 : i32
          %mul3A_267 = arith.constant 256 : i32
          %mul3A_268 = arith.muli %mul3A_267, %add3A_140 : i32
          %dma_wait3A_269 = arith.constant 0 : i32
          %dma_wait3A_270 = arith.constant 0 : i32
          %dma_wait3A_271 = tpu.memref_slice %run_scoped3A_8[%rem3A_266, %dma_wait3A_269, %dma_wait3A_270] : memref<2x256x16xf32, #tpu.memory_space<vmem>> -> memref<1x256x16xf32, #tpu.memory_space<vmem>>
          %dma_wait3A_272 = tpu.memref_squeeze %dma_wait3A_271 : memref<1x256x16xf32, #tpu.memory_space<vmem>> -> memref<256x16xf32, #tpu.memory_space<vmem>>
          %dma_wait3A_273 = arith.constant 0 : i32
          %dma_wait3A_274 = tpu.memref_slice %arg4[%mul3A_268, %dma_wait3A_273] : memref<425984x16xf32, #tpu.memory_space<hbm>> -> memref<256x16xf32, #tpu.memory_space<hbm>>
          %dma_wait3A_275 = tpu.memref_slice %run_scoped3A_9[%rem3A_266] : memref<2x!tpu.dma_semaphore, #tpu.memory_space<semaphore_mem>> -> memref<1x!tpu.dma_semaphore, #tpu.memory_space<semaphore_mem>>
          %dma_wait3A_276 = tpu.memref_squeeze %dma_wait3A_275 : memref<1x!tpu.dma_semaphore, #tpu.memory_space<semaphore_mem>> -> memref<!tpu.dma_semaphore, #tpu.memory_space<semaphore_mem>>
          %dma_wait3A_277 = arith.constant 0 : i32
          %dma_wait3A_278 = tpu.memref_slice %arg4[%mul3A_268, %dma_wait3A_277] : memref<425984x16xf32, #tpu.memory_space<hbm>> -> memref<256x16xf32, #tpu.memory_space<hbm>>
          %dma_wait3A_279 = arith.constant 0 : i32
          %dma_wait3A_280 = arith.constant 0 : i32
          %dma_wait3A_281 = tpu.memref_slice %run_scoped3A_8[%rem3A_266, %dma_wait3A_279, %dma_wait3A_280] : memref<2x256x16xf32, #tpu.memory_space<vmem>> -> memref<1x256x16xf32, #tpu.memory_space<vmem>>
          %dma_wait3A_282 = tpu.memref_squeeze %dma_wait3A_281 : memref<1x256x16xf32, #tpu.memory_space<vmem>> -> memref<256x16xf32, #tpu.memory_space<vmem>>
          tpu.wait_dma2 semaphore(%dma_wait3A_276 : memref<!tpu.dma_semaphore, #tpu.memory_space<semaphore_mem>>) src(%dma_wait3A_282 : memref<256x16xf32, #tpu.memory_space<vmem>>) dst(%dma_wait3A_278 : memref<256x16xf32, #tpu.memory_space<hbm>>)
          "tpu.trace_stop"() : () -> ()
        } else {
        }
        %and3A_245 = arith.constant true
        %and3A_246 = arith.andi %and3A_241, %and3A_245 : i1
        %add3A_247 = arith.constant 1 : i32
        %add3A_248 = arith.addi %scan3A_125, %add3A_247 : i32
        %select_n3A_249 = arith.select %and3A_246, %add3A_248, %scan3A_125 : i32
        %ne3A_250 = arith.cmpi ne, %add3A_131, %add3A_149 : i32
        %or3A_251 = arith.constant false
        %or3A_252 = arith.ori %or3A_251, %ne3A_250 : i1
        %or3A_253 = arith.ori %or3A_252, %eq3A_130 : i1
        %add3A_254 = arith.constant 1 : i32
        %add3A_255 = arith.addi %scan3A_123, %add3A_254 : i32
        %select_n3A_256 = arith.select %or3A_253, %add3A_255, %scan3A_123 : i32
        %add3A_257 = arith.constant 1 : i32
        %add3A_258 = arith.addi %scan3A_126, %add3A_257 : i32
        %select_n3A_259 = arith.constant true
        %select_n3A_260 = arith.select %select_n3A_259, %add3A_258, %scan3A_126 : i32
        %eq3A_261 = arith.constant 52 : i32
        %eq3A_262 = arith.cmpi eq, %select_n3A_260, %eq3A_261 : i32
        %select_n3A_263 = arith.constant 0 : i32
        %select_n3A_264 = arith.select %eq3A_262, %select_n3A_263, %select_n3A_260 : i32
        scf.yield %select_n3A_167, %select_n3A_256, %select_n3A_222, %select_n3A_249, %select_n3A_264 : i32, i32, i32, i32, i32
      }
      %scan3A_68 = arith.constant 52 : i32
      %sub3A = arith.constant 1 : i32
      %sub3A_69 = arith.subi %scan3A_67#4, %sub3A : i32
      %select_n3A_70 = arith.constant true
      %select_n3A_71 = arith.select %select_n3A_70, %sub3A_69, %scan3A_67#4 : i32
      %eq3A_72 = arith.constant -1 : i32
      %eq3A_73 = arith.cmpi eq, %select_n3A_71, %eq3A_72 : i32
      %select_n3A_74 = arith.constant 51 : i32
      %select_n3A_75 = arith.select %eq3A_73, %select_n3A_74, %select_n3A_71 : i32
      %add3A_76 = arith.addi %select_n3A_75, %mul3A_6 : i32
      %sub3A_77 = arith.constant 1 : i32
      %sub3A_78 = arith.subi %select_n3A_75, %sub3A_77 : i32
      %select_n3A_79 = arith.constant true
      %select_n3A_80 = arith.select %select_n3A_79, %sub3A_78, %select_n3A_75 : i32
      %eq3A_81 = arith.constant -1 : i32
      %eq3A_82 = arith.cmpi eq, %select_n3A_80, %eq3A_81 : i32
      %select_n3A_83 = arith.constant 51 : i32
      %select_n3A_84 = arith.select %eq3A_82, %select_n3A_83, %select_n3A_80 : i32
      %add3A_85 = arith.addi %select_n3A_84, %mul3A_6 : i32
      %add3A_86 = arith.constant 1 : i32
      %add3A_87 = arith.addi %select_n3A_75, %add3A_86 : i32
      %select_n3A_88 = arith.constant true
      %select_n3A_89 = arith.select %select_n3A_88, %add3A_87, %select_n3A_75 : i32
      %eq3A_90 = arith.constant 52 : i32
      %eq3A_91 = arith.cmpi eq, %select_n3A_89, %eq3A_90 : i32
      %select_n3A_92 = arith.constant 0 : i32
      %select_n3A_93 = arith.select %eq3A_91, %select_n3A_92, %select_n3A_89 : i32
      %add3A_94 = arith.addi %select_n3A_93, %mul3A_6 : i32
      %add3A_95 = arith.constant 1 : i32
      %add3A_96 = arith.addi %select_n3A_93, %add3A_95 : i32
      %select_n3A_97 = arith.constant true
      %select_n3A_98 = arith.select %select_n3A_97, %add3A_96, %select_n3A_93 : i32
      %eq3A_99 = arith.constant 52 : i32
      %eq3A_100 = arith.cmpi eq, %select_n3A_98, %eq3A_99 : i32
      %select_n3A_101 = arith.constant 0 : i32
      %select_n3A_102 = arith.select %eq3A_100, %select_n3A_101, %select_n3A_98 : i32
      %add3A_103 = arith.addi %select_n3A_102, %mul3A_6 : i32
      "tpu.trace_start"() <{level = 10 : i32, message = "ep_finalize"}> : () -> ()
      %rem3A_104 = arith.constant 2 : i32
      %rem3A_105 = arith.remui %scan3A_67#3, %rem3A_104 : i32
      %mul3A_106 = arith.constant 256 : i32
      %mul3A_107 = arith.muli %mul3A_106, %add3A_76 : i32
      %dma_wait3A = arith.constant 0 : i32
      %dma_wait3A_108 = arith.constant 0 : i32
      %dma_wait3A_109 = tpu.memref_slice %run_scoped3A_8[%rem3A_105, %dma_wait3A, %dma_wait3A_108] : memref<2x256x16xf32, #tpu.memory_space<vmem>> -> memref<1x256x16xf32, #tpu.memory_space<vmem>>
      %dma_wait3A_110 = tpu.memref_squeeze %dma_wait3A_109 : memref<1x256x16xf32, #tpu.memory_space<vmem>> -> memref<256x16xf32, #tpu.memory_space<vmem>>
      %dma_wait3A_111 = arith.constant 0 : i32
      %dma_wait3A_112 = tpu.memref_slice %arg4[%mul3A_107, %dma_wait3A_111] : memref<425984x16xf32, #tpu.memory_space<hbm>> -> memref<256x16xf32, #tpu.memory_space<hbm>>
      %dma_wait3A_113 = tpu.memref_slice %run_scoped3A_9[%rem3A_105] : memref<2x!tpu.dma_semaphore, #tpu.memory_space<semaphore_mem>> -> memref<1x!tpu.dma_semaphore, #tpu.memory_space<semaphore_mem>>
      %dma_wait3A_114 = tpu.memref_squeeze %dma_wait3A_113 : memref<1x!tpu.dma_semaphore, #tpu.memory_space<semaphore_mem>> -> memref<!tpu.dma_semaphore, #tpu.memory_space<semaphore_mem>>
      %dma_wait3A_115 = arith.constant 0 : i32
      %dma_wait3A_116 = tpu.memref_slice %arg4[%mul3A_107, %dma_wait3A_115] : memref<425984x16xf32, #tpu.memory_space<hbm>> -> memref<256x16xf32, #tpu.memory_space<hbm>>
      %dma_wait3A_117 = arith.constant 0 : i32
      %dma_wait3A_118 = arith.constant 0 : i32
      %dma_wait3A_119 = tpu.memref_slice %run_scoped3A_8[%rem3A_105, %dma_wait3A_117, %dma_wait3A_118] : memref<2x256x16xf32, #tpu.memory_space<vmem>> -> memref<1x256x16xf32, #tpu.memory_space<vmem>>
      %dma_wait3A_120 = tpu.memref_squeeze %dma_wait3A_119 : memref<1x256x16xf32, #tpu.memory_space<vmem>> -> memref<256x16xf32, #tpu.memory_space<vmem>>
      tpu.wait_dma2 semaphore(%dma_wait3A_114 : memref<!tpu.dma_semaphore, #tpu.memory_space<semaphore_mem>>) src(%dma_wait3A_120 : memref<256x16xf32, #tpu.memory_space<vmem>>) dst(%dma_wait3A_116 : memref<256x16xf32, #tpu.memory_space<hbm>>)
      "tpu.trace_stop"() : () -> ()
      tpu.yield
    }) : () -> ()
    return
  }
}

module attributes {stable_mosaic.version = 14 : i64} {
  func.func @body(%arg0: i32, %arg1: memref<1x2x16x100000xf32, #tpu.memory_space<vmem>>, %arg2: memref<1x25000x128xf32, #tpu.memory_space<vmem>>) attributes {dimension_semantics = [#tpu.dimension_semantics<parallel>], iteration_bounds = array<i64: 13>, scalar_prefetch = 0 : i64, scratch_operands = 0 : i64, tpu.core_type = #tpu.core_type<tc>, window_params = [{transform_indices = @transform_0, window_bounds = array<i64: 1, 2, 16, 100000>}, {transform_indices = @transform_1, window_bounds = array<i64: 1, 25000, 128>}]} {
    %get3A = arith.constant 0 : index
    %get3A_0 = arith.constant 0 : index
    %get3A_1 = arith.constant 0 : index
    %get3A_2 = arith.constant 0 : index
    %get3A_3 = vector.load %arg1[%get3A, %get3A_0, %get3A_1, %get3A_2] : memref<1x2x16x100000xf32, #tpu.memory_space<vmem>>, vector<1x1x16x3125xf32>
    %get3A_4 = vector.shape_cast %get3A_3 : vector<1x1x16x3125xf32> to vector<16x3125xf32>
    %get3A_5 = arith.constant 0 : index
    %get3A_6 = arith.constant 0 : index
    %get3A_7 = arith.constant 0 : index
    %get3A_8 = arith.constant 12500 : index
    %get3A_9 = vector.load %arg1[%get3A_5, %get3A_6, %get3A_7, %get3A_8] : memref<1x2x16x100000xf32, #tpu.memory_space<vmem>>, vector<1x1x16x3125xf32>
    %get3A_10 = vector.shape_cast %get3A_9 : vector<1x1x16x3125xf32> to vector<16x3125xf32>
    %get3A_11 = arith.constant 0 : index
    %get3A_12 = arith.constant 0 : index
    %get3A_13 = arith.constant 0 : index
    %get3A_14 = arith.constant 25000 : index
    %get3A_15 = vector.load %arg1[%get3A_11, %get3A_12, %get3A_13, %get3A_14] : memref<1x2x16x100000xf32, #tpu.memory_space<vmem>>, vector<1x1x16x3125xf32>
    %get3A_16 = vector.shape_cast %get3A_15 : vector<1x1x16x3125xf32> to vector<16x3125xf32>
    %get3A_17 = arith.constant 0 : index
    %get3A_18 = arith.constant 0 : index
    %get3A_19 = arith.constant 0 : index
    %get3A_20 = arith.constant 37500 : index
    %get3A_21 = vector.load %arg1[%get3A_17, %get3A_18, %get3A_19, %get3A_20] : memref<1x2x16x100000xf32, #tpu.memory_space<vmem>>, vector<1x1x16x3125xf32>
    %get3A_22 = vector.shape_cast %get3A_21 : vector<1x1x16x3125xf32> to vector<16x3125xf32>
    %get3A_23 = arith.constant 0 : index
    %get3A_24 = arith.constant 0 : index
    %get3A_25 = arith.constant 0 : index
    %get3A_26 = arith.constant 50000 : index
    %get3A_27 = vector.load %arg1[%get3A_23, %get3A_24, %get3A_25, %get3A_26] : memref<1x2x16x100000xf32, #tpu.memory_space<vmem>>, vector<1x1x16x3125xf32>
    %get3A_28 = vector.shape_cast %get3A_27 : vector<1x1x16x3125xf32> to vector<16x3125xf32>
    %get3A_29 = arith.constant 0 : index
    %get3A_30 = arith.constant 0 : index
    %get3A_31 = arith.constant 0 : index
    %get3A_32 = arith.constant 62500 : index
    %get3A_33 = vector.load %arg1[%get3A_29, %get3A_30, %get3A_31, %get3A_32] : memref<1x2x16x100000xf32, #tpu.memory_space<vmem>>, vector<1x1x16x3125xf32>
    %get3A_34 = vector.shape_cast %get3A_33 : vector<1x1x16x3125xf32> to vector<16x3125xf32>
    %get3A_35 = arith.constant 0 : index
    %get3A_36 = arith.constant 0 : index
    %get3A_37 = arith.constant 0 : index
    %get3A_38 = arith.constant 75000 : index
    %get3A_39 = vector.load %arg1[%get3A_35, %get3A_36, %get3A_37, %get3A_38] : memref<1x2x16x100000xf32, #tpu.memory_space<vmem>>, vector<1x1x16x3125xf32>
    %get3A_40 = vector.shape_cast %get3A_39 : vector<1x1x16x3125xf32> to vector<16x3125xf32>
    %get3A_41 = arith.constant 0 : index
    %get3A_42 = arith.constant 0 : index
    %get3A_43 = arith.constant 0 : index
    %get3A_44 = arith.constant 87500 : index
    %get3A_45 = vector.load %arg1[%get3A_41, %get3A_42, %get3A_43, %get3A_44] : memref<1x2x16x100000xf32, #tpu.memory_space<vmem>>, vector<1x1x16x3125xf32>
    %get3A_46 = vector.shape_cast %get3A_45 : vector<1x1x16x3125xf32> to vector<16x3125xf32>
    %concatenate3A = tpu.concatenate %get3A_4, %get3A_10, %get3A_16, %get3A_22, %get3A_28, %get3A_34, %get3A_40, %get3A_46 in 0 : vector<16x3125xf32>, vector<16x3125xf32>, vector<16x3125xf32>, vector<16x3125xf32>, vector<16x3125xf32>, vector<16x3125xf32>, vector<16x3125xf32>, vector<16x3125xf32> -> vector<128x3125xf32>
    %transpose3A = tpu.transpose %concatenate3A, [1, 0] : vector<128x3125xf32> -> vector<3125x128xf32>
    %swap3A = arith.constant 0 : index
    %swap3A_47 = arith.constant 0 : index
    %swap3A_48 = arith.constant 0 : index
    %swap3A_49 = vector.load %arg2[%swap3A, %swap3A_47, %swap3A_48] : memref<1x25000x128xf32, #tpu.memory_space<vmem>>, vector<1x3125x128xf32>
    %swap3A_50 = vector.shape_cast %swap3A_49 : vector<1x3125x128xf32> to vector<3125x128xf32>
    %swap3A_51 = vector.shape_cast %transpose3A : vector<3125x128xf32> to vector<1x3125x128xf32>
    tpu.vector_store %arg2[%swap3A, %swap3A_47, %swap3A_48], %swap3A_51 {strides = array<i32>} : memref<1x25000x128xf32, #tpu.memory_space<vmem>>, vector<1x3125x128xf32>,
    %get3A_52 = arith.constant 0 : index
    %get3A_53 = arith.constant 0 : index
    %get3A_54 = arith.constant 0 : index
    %get3A_55 = arith.constant 3125 : index
    %get3A_56 = vector.load %arg1[%get3A_52, %get3A_53, %get3A_54, %get3A_55] : memref<1x2x16x100000xf32, #tpu.memory_space<vmem>>, vector<1x1x16x3125xf32>
    %get3A_57 = vector.shape_cast %get3A_56 : vector<1x1x16x3125xf32> to vector<16x3125xf32>
    %get3A_58 = arith.constant 0 : index
    %get3A_59 = arith.constant 0 : index
    %get3A_60 = arith.constant 0 : index
    %get3A_61 = arith.constant 15625 : index
    %get3A_62 = vector.load %arg1[%get3A_58, %get3A_59, %get3A_60, %get3A_61] : memref<1x2x16x100000xf32, #tpu.memory_space<vmem>>, vector<1x1x16x3125xf32>
    %get3A_63 = vector.shape_cast %get3A_62 : vector<1x1x16x3125xf32> to vector<16x3125xf32>
    %get3A_64 = arith.constant 0 : index
    %get3A_65 = arith.constant 0 : index
    %get3A_66 = arith.constant 0 : index
    %get3A_67 = arith.constant 28125 : index
    %get3A_68 = vector.load %arg1[%get3A_64, %get3A_65, %get3A_66, %get3A_67] : memref<1x2x16x100000xf32, #tpu.memory_space<vmem>>, vector<1x1x16x3125xf32>
    %get3A_69 = vector.shape_cast %get3A_68 : vector<1x1x16x3125xf32> to vector<16x3125xf32>
    %get3A_70 = arith.constant 0 : index
    %get3A_71 = arith.constant 0 : index
    %get3A_72 = arith.constant 0 : index
    %get3A_73 = arith.constant 40625 : index
    %get3A_74 = vector.load %arg1[%get3A_70, %get3A_71, %get3A_72, %get3A_73] : memref<1x2x16x100000xf32, #tpu.memory_space<vmem>>, vector<1x1x16x3125xf32>
    %get3A_75 = vector.shape_cast %get3A_74 : vector<1x1x16x3125xf32> to vector<16x3125xf32>
    %get3A_76 = arith.constant 0 : index
    %get3A_77 = arith.constant 0 : index
    %get3A_78 = arith.constant 0 : index
    %get3A_79 = arith.constant 53125 : index
    %get3A_80 = vector.load %arg1[%get3A_76, %get3A_77, %get3A_78, %get3A_79] : memref<1x2x16x100000xf32, #tpu.memory_space<vmem>>, vector<1x1x16x3125xf32>
    %get3A_81 = vector.shape_cast %get3A_80 : vector<1x1x16x3125xf32> to vector<16x3125xf32>
    %get3A_82 = arith.constant 0 : index
    %get3A_83 = arith.constant 0 : index
    %get3A_84 = arith.constant 0 : index
    %get3A_85 = arith.constant 65625 : index
    %get3A_86 = vector.load %arg1[%get3A_82, %get3A_83, %get3A_84, %get3A_85] : memref<1x2x16x100000xf32, #tpu.memory_space<vmem>>, vector<1x1x16x3125xf32>
    %get3A_87 = vector.shape_cast %get3A_86 : vector<1x1x16x3125xf32> to vector<16x3125xf32>
    %get3A_88 = arith.constant 0 : index
    %get3A_89 = arith.constant 0 : index
    %get3A_90 = arith.constant 0 : index
    %get3A_91 = arith.constant 78125 : index
    %get3A_92 = vector.load %arg1[%get3A_88, %get3A_89, %get3A_90, %get3A_91] : memref<1x2x16x100000xf32, #tpu.memory_space<vmem>>, vector<1x1x16x3125xf32>
    %get3A_93 = vector.shape_cast %get3A_92 : vector<1x1x16x3125xf32> to vector<16x3125xf32>
    %get3A_94 = arith.constant 0 : index
    %get3A_95 = arith.constant 0 : index
    %get3A_96 = arith.constant 0 : index
    %get3A_97 = arith.constant 90625 : index
    %get3A_98 = vector.load %arg1[%get3A_94, %get3A_95, %get3A_96, %get3A_97] : memref<1x2x16x100000xf32, #tpu.memory_space<vmem>>, vector<1x1x16x3125xf32>
    %get3A_99 = vector.shape_cast %get3A_98 : vector<1x1x16x3125xf32> to vector<16x3125xf32>
    %concatenate3A_100 = tpu.concatenate %get3A_57, %get3A_63, %get3A_69, %get3A_75, %get3A_81, %get3A_87, %get3A_93, %get3A_99 in 0 : vector<16x3125xf32>, vector<16x3125xf32>, vector<16x3125xf32>, vector<16x3125xf32>, vector<16x3125xf32>, vector<16x3125xf32>, vector<16x3125xf32>, vector<16x3125xf32> -> vector<128x3125xf32>
    %transpose3A_101 = tpu.transpose %concatenate3A_100, [1, 0] : vector<128x3125xf32> -> vector<3125x128xf32>
    %swap3A_102 = arith.constant 0 : index
    %swap3A_103 = arith.constant 3125 : index
    %swap3A_104 = arith.constant 0 : index
    %swap3A_105 = vector.load %arg2[%swap3A_102, %swap3A_103, %swap3A_104] : memref<1x25000x128xf32, #tpu.memory_space<vmem>>, vector<1x3125x128xf32>
    %swap3A_106 = vector.shape_cast %swap3A_105 : vector<1x3125x128xf32> to vector<3125x128xf32>
    %swap3A_107 = vector.shape_cast %transpose3A_101 : vector<3125x128xf32> to vector<1x3125x128xf32>
    tpu.vector_store %arg2[%swap3A_102, %swap3A_103, %swap3A_104], %swap3A_107 {strides = array<i32>} : memref<1x25000x128xf32, #tpu.memory_space<vmem>>, vector<1x3125x128xf32>,
    %get3A_108 = arith.constant 0 : index
    %get3A_109 = arith.constant 0 : index
    %get3A_110 = arith.constant 0 : index
    %get3A_111 = arith.constant 6250 : index
    %get3A_112 = vector.load %arg1[%get3A_108, %get3A_109, %get3A_110, %get3A_111] : memref<1x2x16x100000xf32, #tpu.memory_space<vmem>>, vector<1x1x16x3125xf32>
    %get3A_113 = vector.shape_cast %get3A_112 : vector<1x1x16x3125xf32> to vector<16x3125xf32>
    %get3A_114 = arith.constant 0 : index
    %get3A_115 = arith.constant 0 : index
    %get3A_116 = arith.constant 0 : index
    %get3A_117 = arith.constant 18750 : index
    %get3A_118 = vector.load %arg1[%get3A_114, %get3A_115, %get3A_116, %get3A_117] : memref<1x2x16x100000xf32, #tpu.memory_space<vmem>>, vector<1x1x16x3125xf32>
    %get3A_119 = vector.shape_cast %get3A_118 : vector<1x1x16x3125xf32> to vector<16x3125xf32>
    %get3A_120 = arith.constant 0 : index
    %get3A_121 = arith.constant 0 : index
    %get3A_122 = arith.constant 0 : index
    %get3A_123 = arith.constant 31250 : index
    %get3A_124 = vector.load %arg1[%get3A_120, %get3A_121, %get3A_122, %get3A_123] : memref<1x2x16x100000xf32, #tpu.memory_space<vmem>>, vector<1x1x16x3125xf32>
    %get3A_125 = vector.shape_cast %get3A_124 : vector<1x1x16x3125xf32> to vector<16x3125xf32>
    %get3A_126 = arith.constant 0 : index
    %get3A_127 = arith.constant 0 : index
    %get3A_128 = arith.constant 0 : index
    %get3A_129 = arith.constant 43750 : index
    %get3A_130 = vector.load %arg1[%get3A_126, %get3A_127, %get3A_128, %get3A_129] : memref<1x2x16x100000xf32, #tpu.memory_space<vmem>>, vector<1x1x16x3125xf32>
    %get3A_131 = vector.shape_cast %get3A_130 : vector<1x1x16x3125xf32> to vector<16x3125xf32>
    %get3A_132 = arith.constant 0 : index
    %get3A_133 = arith.constant 0 : index
    %get3A_134 = arith.constant 0 : index
    %get3A_135 = arith.constant 56250 : index
    %get3A_136 = vector.load %arg1[%get3A_132, %get3A_133, %get3A_134, %get3A_135] : memref<1x2x16x100000xf32, #tpu.memory_space<vmem>>, vector<1x1x16x3125xf32>
    %get3A_137 = vector.shape_cast %get3A_136 : vector<1x1x16x3125xf32> to vector<16x3125xf32>
    %get3A_138 = arith.constant 0 : index
    %get3A_139 = arith.constant 0 : index
    %get3A_140 = arith.constant 0 : index
    %get3A_141 = arith.constant 68750 : index
    %get3A_142 = vector.load %arg1[%get3A_138, %get3A_139, %get3A_140, %get3A_141] : memref<1x2x16x100000xf32, #tpu.memory_space<vmem>>, vector<1x1x16x3125xf32>
    %get3A_143 = vector.shape_cast %get3A_142 : vector<1x1x16x3125xf32> to vector<16x3125xf32>
    %get3A_144 = arith.constant 0 : index
    %get3A_145 = arith.constant 0 : index
    %get3A_146 = arith.constant 0 : index
    %get3A_147 = arith.constant 81250 : index
    %get3A_148 = vector.load %arg1[%get3A_144, %get3A_145, %get3A_146, %get3A_147] : memref<1x2x16x100000xf32, #tpu.memory_space<vmem>>, vector<1x1x16x3125xf32>
    %get3A_149 = vector.shape_cast %get3A_148 : vector<1x1x16x3125xf32> to vector<16x3125xf32>
    %get3A_150 = arith.constant 0 : index
    %get3A_151 = arith.constant 0 : index
    %get3A_152 = arith.constant 0 : index
    %get3A_153 = arith.constant 93750 : index
    %get3A_154 = vector.load %arg1[%get3A_150, %get3A_151, %get3A_152, %get3A_153] : memref<1x2x16x100000xf32, #tpu.memory_space<vmem>>, vector<1x1x16x3125xf32>
    %get3A_155 = vector.shape_cast %get3A_154 : vector<1x1x16x3125xf32> to vector<16x3125xf32>
    %concatenate3A_156 = tpu.concatenate %get3A_113, %get3A_119, %get3A_125, %get3A_131, %get3A_137, %get3A_143, %get3A_149, %get3A_155 in 0 : vector<16x3125xf32>, vector<16x3125xf32>, vector<16x3125xf32>, vector<16x3125xf32>, vector<16x3125xf32>, vector<16x3125xf32>, vector<16x3125xf32>, vector<16x3125xf32> -> vector<128x3125xf32>
    %transpose3A_157 = tpu.transpose %concatenate3A_156, [1, 0] : vector<128x3125xf32> -> vector<3125x128xf32>
    %swap3A_158 = arith.constant 0 : index
    %swap3A_159 = arith.constant 6250 : index
    %swap3A_160 = arith.constant 0 : index
    %swap3A_161 = vector.load %arg2[%swap3A_158, %swap3A_159, %swap3A_160] : memref<1x25000x128xf32, #tpu.memory_space<vmem>>, vector<1x3125x128xf32>
    %swap3A_162 = vector.shape_cast %swap3A_161 : vector<1x3125x128xf32> to vector<3125x128xf32>
    %swap3A_163 = vector.shape_cast %transpose3A_157 : vector<3125x128xf32> to vector<1x3125x128xf32>
    tpu.vector_store %arg2[%swap3A_158, %swap3A_159, %swap3A_160], %swap3A_163 {strides = array<i32>} : memref<1x25000x128xf32, #tpu.memory_space<vmem>>, vector<1x3125x128xf32>,
    %get3A_164 = arith.constant 0 : index
    %get3A_165 = arith.constant 0 : index
    %get3A_166 = arith.constant 0 : index
    %get3A_167 = arith.constant 9375 : index
    %get3A_168 = vector.load %arg1[%get3A_164, %get3A_165, %get3A_166, %get3A_167] : memref<1x2x16x100000xf32, #tpu.memory_space<vmem>>, vector<1x1x16x3125xf32>
    %get3A_169 = vector.shape_cast %get3A_168 : vector<1x1x16x3125xf32> to vector<16x3125xf32>
    %get3A_170 = arith.constant 0 : index
    %get3A_171 = arith.constant 0 : index
    %get3A_172 = arith.constant 0 : index
    %get3A_173 = arith.constant 21875 : index
    %get3A_174 = vector.load %arg1[%get3A_170, %get3A_171, %get3A_172, %get3A_173] : memref<1x2x16x100000xf32, #tpu.memory_space<vmem>>, vector<1x1x16x3125xf32>
    %get3A_175 = vector.shape_cast %get3A_174 : vector<1x1x16x3125xf32> to vector<16x3125xf32>
    %get3A_176 = arith.constant 0 : index
    %get3A_177 = arith.constant 0 : index
    %get3A_178 = arith.constant 0 : index
    %get3A_179 = arith.constant 34375 : index
    %get3A_180 = vector.load %arg1[%get3A_176, %get3A_177, %get3A_178, %get3A_179] : memref<1x2x16x100000xf32, #tpu.memory_space<vmem>>, vector<1x1x16x3125xf32>
    %get3A_181 = vector.shape_cast %get3A_180 : vector<1x1x16x3125xf32> to vector<16x3125xf32>
    %get3A_182 = arith.constant 0 : index
    %get3A_183 = arith.constant 0 : index
    %get3A_184 = arith.constant 0 : index
    %get3A_185 = arith.constant 46875 : index
    %get3A_186 = vector.load %arg1[%get3A_182, %get3A_183, %get3A_184, %get3A_185] : memref<1x2x16x100000xf32, #tpu.memory_space<vmem>>, vector<1x1x16x3125xf32>
    %get3A_187 = vector.shape_cast %get3A_186 : vector<1x1x16x3125xf32> to vector<16x3125xf32>
    %get3A_188 = arith.constant 0 : index
    %get3A_189 = arith.constant 0 : index
    %get3A_190 = arith.constant 0 : index
    %get3A_191 = arith.constant 59375 : index
    %get3A_192 = vector.load %arg1[%get3A_188, %get3A_189, %get3A_190, %get3A_191] : memref<1x2x16x100000xf32, #tpu.memory_space<vmem>>, vector<1x1x16x3125xf32>
    %get3A_193 = vector.shape_cast %get3A_192 : vector<1x1x16x3125xf32> to vector<16x3125xf32>
    %get3A_194 = arith.constant 0 : index
    %get3A_195 = arith.constant 0 : index
    %get3A_196 = arith.constant 0 : index
    %get3A_197 = arith.constant 71875 : index
    %get3A_198 = vector.load %arg1[%get3A_194, %get3A_195, %get3A_196, %get3A_197] : memref<1x2x16x100000xf32, #tpu.memory_space<vmem>>, vector<1x1x16x3125xf32>
    %get3A_199 = vector.shape_cast %get3A_198 : vector<1x1x16x3125xf32> to vector<16x3125xf32>
    %get3A_200 = arith.constant 0 : index
    %get3A_201 = arith.constant 0 : index
    %get3A_202 = arith.constant 0 : index
    %get3A_203 = arith.constant 84375 : index
    %get3A_204 = vector.load %arg1[%get3A_200, %get3A_201, %get3A_202, %get3A_203] : memref<1x2x16x100000xf32, #tpu.memory_space<vmem>>, vector<1x1x16x3125xf32>
    %get3A_205 = vector.shape_cast %get3A_204 : vector<1x1x16x3125xf32> to vector<16x3125xf32>
    %get3A_206 = arith.constant 0 : index
    %get3A_207 = arith.constant 0 : index
    %get3A_208 = arith.constant 0 : index
    %get3A_209 = arith.constant 96875 : index
    %get3A_210 = vector.load %arg1[%get3A_206, %get3A_207, %get3A_208, %get3A_209] : memref<1x2x16x100000xf32, #tpu.memory_space<vmem>>, vector<1x1x16x3125xf32>
    %get3A_211 = vector.shape_cast %get3A_210 : vector<1x1x16x3125xf32> to vector<16x3125xf32>
    %concatenate3A_212 = tpu.concatenate %get3A_169, %get3A_175, %get3A_181, %get3A_187, %get3A_193, %get3A_199, %get3A_205, %get3A_211 in 0 : vector<16x3125xf32>, vector<16x3125xf32>, vector<16x3125xf32>, vector<16x3125xf32>, vector<16x3125xf32>, vector<16x3125xf32>, vector<16x3125xf32>, vector<16x3125xf32> -> vector<128x3125xf32>
    %transpose3A_213 = tpu.transpose %concatenate3A_212, [1, 0] : vector<128x3125xf32> -> vector<3125x128xf32>
    %swap3A_214 = arith.constant 0 : index
    %swap3A_215 = arith.constant 9375 : index
    %swap3A_216 = arith.constant 0 : index
    %swap3A_217 = vector.load %arg2[%swap3A_214, %swap3A_215, %swap3A_216] : memref<1x25000x128xf32, #tpu.memory_space<vmem>>, vector<1x3125x128xf32>
    %swap3A_218 = vector.shape_cast %swap3A_217 : vector<1x3125x128xf32> to vector<3125x128xf32>
    %swap3A_219 = vector.shape_cast %transpose3A_213 : vector<3125x128xf32> to vector<1x3125x128xf32>
    tpu.vector_store %arg2[%swap3A_214, %swap3A_215, %swap3A_216], %swap3A_219 {strides = array<i32>} : memref<1x25000x128xf32, #tpu.memory_space<vmem>>, vector<1x3125x128xf32>,
    %get3A_220 = arith.constant 0 : index
    %get3A_221 = arith.constant 1 : index
    %get3A_222 = arith.constant 0 : index
    %get3A_223 = arith.constant 0 : index
    %get3A_224 = vector.load %arg1[%get3A_220, %get3A_221, %get3A_222, %get3A_223] : memref<1x2x16x100000xf32, #tpu.memory_space<vmem>>, vector<1x1x16x3125xf32>
    %get3A_225 = vector.shape_cast %get3A_224 : vector<1x1x16x3125xf32> to vector<16x3125xf32>
    %get3A_226 = arith.constant 0 : index
    %get3A_227 = arith.constant 1 : index
    %get3A_228 = arith.constant 0 : index
    %get3A_229 = arith.constant 12500 : index
    %get3A_230 = vector.load %arg1[%get3A_226, %get3A_227, %get3A_228, %get3A_229] : memref<1x2x16x100000xf32, #tpu.memory_space<vmem>>, vector<1x1x16x3125xf32>
    %get3A_231 = vector.shape_cast %get3A_230 : vector<1x1x16x3125xf32> to vector<16x3125xf32>
    %get3A_232 = arith.constant 0 : index
    %get3A_233 = arith.constant 1 : index
    %get3A_234 = arith.constant 0 : index
    %get3A_235 = arith.constant 25000 : index
    %get3A_236 = vector.load %arg1[%get3A_232, %get3A_233, %get3A_234, %get3A_235] : memref<1x2x16x100000xf32, #tpu.memory_space<vmem>>, vector<1x1x16x3125xf32>
    %get3A_237 = vector.shape_cast %get3A_236 : vector<1x1x16x3125xf32> to vector<16x3125xf32>
    %get3A_238 = arith.constant 0 : index
    %get3A_239 = arith.constant 1 : index
    %get3A_240 = arith.constant 0 : index
    %get3A_241 = arith.constant 37500 : index
    %get3A_242 = vector.load %arg1[%get3A_238, %get3A_239, %get3A_240, %get3A_241] : memref<1x2x16x100000xf32, #tpu.memory_space<vmem>>, vector<1x1x16x3125xf32>
    %get3A_243 = vector.shape_cast %get3A_242 : vector<1x1x16x3125xf32> to vector<16x3125xf32>
    %get3A_244 = arith.constant 0 : index
    %get3A_245 = arith.constant 1 : index
    %get3A_246 = arith.constant 0 : index
    %get3A_247 = arith.constant 50000 : index
    %get3A_248 = vector.load %arg1[%get3A_244, %get3A_245, %get3A_246, %get3A_247] : memref<1x2x16x100000xf32, #tpu.memory_space<vmem>>, vector<1x1x16x3125xf32>
    %get3A_249 = vector.shape_cast %get3A_248 : vector<1x1x16x3125xf32> to vector<16x3125xf32>
    %get3A_250 = arith.constant 0 : index
    %get3A_251 = arith.constant 1 : index
    %get3A_252 = arith.constant 0 : index
    %get3A_253 = arith.constant 62500 : index
    %get3A_254 = vector.load %arg1[%get3A_250, %get3A_251, %get3A_252, %get3A_253] : memref<1x2x16x100000xf32, #tpu.memory_space<vmem>>, vector<1x1x16x3125xf32>
    %get3A_255 = vector.shape_cast %get3A_254 : vector<1x1x16x3125xf32> to vector<16x3125xf32>
    %get3A_256 = arith.constant 0 : index
    %get3A_257 = arith.constant 1 : index
    %get3A_258 = arith.constant 0 : index
    %get3A_259 = arith.constant 75000 : index
    %get3A_260 = vector.load %arg1[%get3A_256, %get3A_257, %get3A_258, %get3A_259] : memref<1x2x16x100000xf32, #tpu.memory_space<vmem>>, vector<1x1x16x3125xf32>
    %get3A_261 = vector.shape_cast %get3A_260 : vector<1x1x16x3125xf32> to vector<16x3125xf32>
    %get3A_262 = arith.constant 0 : index
    %get3A_263 = arith.constant 1 : index
    %get3A_264 = arith.constant 0 : index
    %get3A_265 = arith.constant 87500 : index
    %get3A_266 = vector.load %arg1[%get3A_262, %get3A_263, %get3A_264, %get3A_265] : memref<1x2x16x100000xf32, #tpu.memory_space<vmem>>, vector<1x1x16x3125xf32>
    %get3A_267 = vector.shape_cast %get3A_266 : vector<1x1x16x3125xf32> to vector<16x3125xf32>
    %concatenate3A_268 = tpu.concatenate %get3A_225, %get3A_231, %get3A_237, %get3A_243, %get3A_249, %get3A_255, %get3A_261, %get3A_267 in 0 : vector<16x3125xf32>, vector<16x3125xf32>, vector<16x3125xf32>, vector<16x3125xf32>, vector<16x3125xf32>, vector<16x3125xf32>, vector<16x3125xf32>, vector<16x3125xf32> -> vector<128x3125xf32>
    %transpose3A_269 = tpu.transpose %concatenate3A_268, [1, 0] : vector<128x3125xf32> -> vector<3125x128xf32>
    %swap3A_270 = arith.constant 0 : index
    %swap3A_271 = arith.constant 12500 : index
    %swap3A_272 = arith.constant 0 : index
    %swap3A_273 = vector.load %arg2[%swap3A_270, %swap3A_271, %swap3A_272] : memref<1x25000x128xf32, #tpu.memory_space<vmem>>, vector<1x3125x128xf32>
    %swap3A_274 = vector.shape_cast %swap3A_273 : vector<1x3125x128xf32> to vector<3125x128xf32>
    %swap3A_275 = vector.shape_cast %transpose3A_269 : vector<3125x128xf32> to vector<1x3125x128xf32>
    tpu.vector_store %arg2[%swap3A_270, %swap3A_271, %swap3A_272], %swap3A_275 {strides = array<i32>} : memref<1x25000x128xf32, #tpu.memory_space<vmem>>, vector<1x3125x128xf32>,
    %get3A_276 = arith.constant 0 : index
    %get3A_277 = arith.constant 1 : index
    %get3A_278 = arith.constant 0 : index
    %get3A_279 = arith.constant 3125 : index
    %get3A_280 = vector.load %arg1[%get3A_276, %get3A_277, %get3A_278, %get3A_279] : memref<1x2x16x100000xf32, #tpu.memory_space<vmem>>, vector<1x1x16x3125xf32>
    %get3A_281 = vector.shape_cast %get3A_280 : vector<1x1x16x3125xf32> to vector<16x3125xf32>
    %get3A_282 = arith.constant 0 : index
    %get3A_283 = arith.constant 1 : index
    %get3A_284 = arith.constant 0 : index
    %get3A_285 = arith.constant 15625 : index
    %get3A_286 = vector.load %arg1[%get3A_282, %get3A_283, %get3A_284, %get3A_285] : memref<1x2x16x100000xf32, #tpu.memory_space<vmem>>, vector<1x1x16x3125xf32>
    %get3A_287 = vector.shape_cast %get3A_286 : vector<1x1x16x3125xf32> to vector<16x3125xf32>
    %get3A_288 = arith.constant 0 : index
    %get3A_289 = arith.constant 1 : index
    %get3A_290 = arith.constant 0 : index
    %get3A_291 = arith.constant 28125 : index
    %get3A_292 = vector.load %arg1[%get3A_288, %get3A_289, %get3A_290, %get3A_291] : memref<1x2x16x100000xf32, #tpu.memory_space<vmem>>, vector<1x1x16x3125xf32>
    %get3A_293 = vector.shape_cast %get3A_292 : vector<1x1x16x3125xf32> to vector<16x3125xf32>
    %get3A_294 = arith.constant 0 : index
    %get3A_295 = arith.constant 1 : index
    %get3A_296 = arith.constant 0 : index
    %get3A_297 = arith.constant 40625 : index
    %get3A_298 = vector.load %arg1[%get3A_294, %get3A_295, %get3A_296, %get3A_297] : memref<1x2x16x100000xf32, #tpu.memory_space<vmem>>, vector<1x1x16x3125xf32>
    %get3A_299 = vector.shape_cast %get3A_298 : vector<1x1x16x3125xf32> to vector<16x3125xf32>
    %get3A_300 = arith.constant 0 : index
    %get3A_301 = arith.constant 1 : index
    %get3A_302 = arith.constant 0 : index
    %get3A_303 = arith.constant 53125 : index
    %get3A_304 = vector.load %arg1[%get3A_300, %get3A_301, %get3A_302, %get3A_303] : memref<1x2x16x100000xf32, #tpu.memory_space<vmem>>, vector<1x1x16x3125xf32>
    %get3A_305 = vector.shape_cast %get3A_304 : vector<1x1x16x3125xf32> to vector<16x3125xf32>
    %get3A_306 = arith.constant 0 : index
    %get3A_307 = arith.constant 1 : index
    %get3A_308 = arith.constant 0 : index
    %get3A_309 = arith.constant 65625 : index
    %get3A_310 = vector.load %arg1[%get3A_306, %get3A_307, %get3A_308, %get3A_309] : memref<1x2x16x100000xf32, #tpu.memory_space<vmem>>, vector<1x1x16x3125xf32>
    %get3A_311 = vector.shape_cast %get3A_310 : vector<1x1x16x3125xf32> to vector<16x3125xf32>
    %get3A_312 = arith.constant 0 : index
    %get3A_313 = arith.constant 1 : index
    %get3A_314 = arith.constant 0 : index
    %get3A_315 = arith.constant 78125 : index
    %get3A_316 = vector.load %arg1[%get3A_312, %get3A_313, %get3A_314, %get3A_315] : memref<1x2x16x100000xf32, #tpu.memory_space<vmem>>, vector<1x1x16x3125xf32>
    %get3A_317 = vector.shape_cast %get3A_316 : vector<1x1x16x3125xf32> to vector<16x3125xf32>
    %get3A_318 = arith.constant 0 : index
    %get3A_319 = arith.constant 1 : index
    %get3A_320 = arith.constant 0 : index
    %get3A_321 = arith.constant 90625 : index
    %get3A_322 = vector.load %arg1[%get3A_318, %get3A_319, %get3A_320, %get3A_321] : memref<1x2x16x100000xf32, #tpu.memory_space<vmem>>, vector<1x1x16x3125xf32>
    %get3A_323 = vector.shape_cast %get3A_322 : vector<1x1x16x3125xf32> to vector<16x3125xf32>
    %concatenate3A_324 = tpu.concatenate %get3A_281, %get3A_287, %get3A_293, %get3A_299, %get3A_305, %get3A_311, %get3A_317, %get3A_323 in 0 : vector<16x3125xf32>, vector<16x3125xf32>, vector<16x3125xf32>, vector<16x3125xf32>, vector<16x3125xf32>, vector<16x3125xf32>, vector<16x3125xf32>, vector<16x3125xf32> -> vector<128x3125xf32>
    %transpose3A_325 = tpu.transpose %concatenate3A_324, [1, 0] : vector<128x3125xf32> -> vector<3125x128xf32>
    %swap3A_326 = arith.constant 0 : index
    %swap3A_327 = arith.constant 15625 : index
    %swap3A_328 = arith.constant 0 : index
    %swap3A_329 = vector.load %arg2[%swap3A_326, %swap3A_327, %swap3A_328] : memref<1x25000x128xf32, #tpu.memory_space<vmem>>, vector<1x3125x128xf32>
    %swap3A_330 = vector.shape_cast %swap3A_329 : vector<1x3125x128xf32> to vector<3125x128xf32>
    %swap3A_331 = vector.shape_cast %transpose3A_325 : vector<3125x128xf32> to vector<1x3125x128xf32>
    tpu.vector_store %arg2[%swap3A_326, %swap3A_327, %swap3A_328], %swap3A_331 {strides = array<i32>} : memref<1x25000x128xf32, #tpu.memory_space<vmem>>, vector<1x3125x128xf32>,
    %get3A_332 = arith.constant 0 : index
    %get3A_333 = arith.constant 1 : index
    %get3A_334 = arith.constant 0 : index
    %get3A_335 = arith.constant 6250 : index
    %get3A_336 = vector.load %arg1[%get3A_332, %get3A_333, %get3A_334, %get3A_335] : memref<1x2x16x100000xf32, #tpu.memory_space<vmem>>, vector<1x1x16x3125xf32>
    %get3A_337 = vector.shape_cast %get3A_336 : vector<1x1x16x3125xf32> to vector<16x3125xf32>
    %get3A_338 = arith.constant 0 : index
    %get3A_339 = arith.constant 1 : index
    %get3A_340 = arith.constant 0 : index
    %get3A_341 = arith.constant 18750 : index
    %get3A_342 = vector.load %arg1[%get3A_338, %get3A_339, %get3A_340, %get3A_341] : memref<1x2x16x100000xf32, #tpu.memory_space<vmem>>, vector<1x1x16x3125xf32>
    %get3A_343 = vector.shape_cast %get3A_342 : vector<1x1x16x3125xf32> to vector<16x3125xf32>
    %get3A_344 = arith.constant 0 : index
    %get3A_345 = arith.constant 1 : index
    %get3A_346 = arith.constant 0 : index
    %get3A_347 = arith.constant 31250 : index
    %get3A_348 = vector.load %arg1[%get3A_344, %get3A_345, %get3A_346, %get3A_347] : memref<1x2x16x100000xf32, #tpu.memory_space<vmem>>, vector<1x1x16x3125xf32>
    %get3A_349 = vector.shape_cast %get3A_348 : vector<1x1x16x3125xf32> to vector<16x3125xf32>
    %get3A_350 = arith.constant 0 : index
    %get3A_351 = arith.constant 1 : index
    %get3A_352 = arith.constant 0 : index
    %get3A_353 = arith.constant 43750 : index
    %get3A_354 = vector.load %arg1[%get3A_350, %get3A_351, %get3A_352, %get3A_353] : memref<1x2x16x100000xf32, #tpu.memory_space<vmem>>, vector<1x1x16x3125xf32>
    %get3A_355 = vector.shape_cast %get3A_354 : vector<1x1x16x3125xf32> to vector<16x3125xf32>
    %get3A_356 = arith.constant 0 : index
    %get3A_357 = arith.constant 1 : index
    %get3A_358 = arith.constant 0 : index
    %get3A_359 = arith.constant 56250 : index
    %get3A_360 = vector.load %arg1[%get3A_356, %get3A_357, %get3A_358, %get3A_359] : memref<1x2x16x100000xf32, #tpu.memory_space<vmem>>, vector<1x1x16x3125xf32>
    %get3A_361 = vector.shape_cast %get3A_360 : vector<1x1x16x3125xf32> to vector<16x3125xf32>
    %get3A_362 = arith.constant 0 : index
    %get3A_363 = arith.constant 1 : index
    %get3A_364 = arith.constant 0 : index
    %get3A_365 = arith.constant 68750 : index
    %get3A_366 = vector.load %arg1[%get3A_362, %get3A_363, %get3A_364, %get3A_365] : memref<1x2x16x100000xf32, #tpu.memory_space<vmem>>, vector<1x1x16x3125xf32>
    %get3A_367 = vector.shape_cast %get3A_366 : vector<1x1x16x3125xf32> to vector<16x3125xf32>
    %get3A_368 = arith.constant 0 : index
    %get3A_369 = arith.constant 1 : index
    %get3A_370 = arith.constant 0 : index
    %get3A_371 = arith.constant 81250 : index
    %get3A_372 = vector.load %arg1[%get3A_368, %get3A_369, %get3A_370, %get3A_371] : memref<1x2x16x100000xf32, #tpu.memory_space<vmem>>, vector<1x1x16x3125xf32>
    %get3A_373 = vector.shape_cast %get3A_372 : vector<1x1x16x3125xf32> to vector<16x3125xf32>
    %get3A_374 = arith.constant 0 : index
    %get3A_375 = arith.constant 1 : index
    %get3A_376 = arith.constant 0 : index
    %get3A_377 = arith.constant 93750 : index
    %get3A_378 = vector.load %arg1[%get3A_374, %get3A_375, %get3A_376, %get3A_377] : memref<1x2x16x100000xf32, #tpu.memory_space<vmem>>, vector<1x1x16x3125xf32>
    %get3A_379 = vector.shape_cast %get3A_378 : vector<1x1x16x3125xf32> to vector<16x3125xf32>
    %concatenate3A_380 = tpu.concatenate %get3A_337, %get3A_343, %get3A_349, %get3A_355, %get3A_361, %get3A_367, %get3A_373, %get3A_379 in 0 : vector<16x3125xf32>, vector<16x3125xf32>, vector<16x3125xf32>, vector<16x3125xf32>, vector<16x3125xf32>, vector<16x3125xf32>, vector<16x3125xf32>, vector<16x3125xf32> -> vector<128x3125xf32>
    %transpose3A_381 = tpu.transpose %concatenate3A_380, [1, 0] : vector<128x3125xf32> -> vector<3125x128xf32>
    %swap3A_382 = arith.constant 0 : index
    %swap3A_383 = arith.constant 18750 : index
    %swap3A_384 = arith.constant 0 : index
    %swap3A_385 = vector.load %arg2[%swap3A_382, %swap3A_383, %swap3A_384] : memref<1x25000x128xf32, #tpu.memory_space<vmem>>, vector<1x3125x128xf32>
    %swap3A_386 = vector.shape_cast %swap3A_385 : vector<1x3125x128xf32> to vector<3125x128xf32>
    %swap3A_387 = vector.shape_cast %transpose3A_381 : vector<3125x128xf32> to vector<1x3125x128xf32>
    tpu.vector_store %arg2[%swap3A_382, %swap3A_383, %swap3A_384], %swap3A_387 {strides = array<i32>} : memref<1x25000x128xf32, #tpu.memory_space<vmem>>, vector<1x3125x128xf32>,
    %get3A_388 = arith.constant 0 : index
    %get3A_389 = arith.constant 1 : index
    %get3A_390 = arith.constant 0 : index
    %get3A_391 = arith.constant 9375 : index
    %get3A_392 = vector.load %arg1[%get3A_388, %get3A_389, %get3A_390, %get3A_391] : memref<1x2x16x100000xf32, #tpu.memory_space<vmem>>, vector<1x1x16x3125xf32>
    %get3A_393 = vector.shape_cast %get3A_392 : vector<1x1x16x3125xf32> to vector<16x3125xf32>
    %get3A_394 = arith.constant 0 : index
    %get3A_395 = arith.constant 1 : index
    %get3A_396 = arith.constant 0 : index
    %get3A_397 = arith.constant 21875 : index
    %get3A_398 = vector.load %arg1[%get3A_394, %get3A_395, %get3A_396, %get3A_397] : memref<1x2x16x100000xf32, #tpu.memory_space<vmem>>, vector<1x1x16x3125xf32>
    %get3A_399 = vector.shape_cast %get3A_398 : vector<1x1x16x3125xf32> to vector<16x3125xf32>
    %get3A_400 = arith.constant 0 : index
    %get3A_401 = arith.constant 1 : index
    %get3A_402 = arith.constant 0 : index
    %get3A_403 = arith.constant 34375 : index
    %get3A_404 = vector.load %arg1[%get3A_400, %get3A_401, %get3A_402, %get3A_403] : memref<1x2x16x100000xf32, #tpu.memory_space<vmem>>, vector<1x1x16x3125xf32>
    %get3A_405 = vector.shape_cast %get3A_404 : vector<1x1x16x3125xf32> to vector<16x3125xf32>
    %get3A_406 = arith.constant 0 : index
    %get3A_407 = arith.constant 1 : index
    %get3A_408 = arith.constant 0 : index
    %get3A_409 = arith.constant 46875 : index
    %get3A_410 = vector.load %arg1[%get3A_406, %get3A_407, %get3A_408, %get3A_409] : memref<1x2x16x100000xf32, #tpu.memory_space<vmem>>, vector<1x1x16x3125xf32>
    %get3A_411 = vector.shape_cast %get3A_410 : vector<1x1x16x3125xf32> to vector<16x3125xf32>
    %get3A_412 = arith.constant 0 : index
    %get3A_413 = arith.constant 1 : index
    %get3A_414 = arith.constant 0 : index
    %get3A_415 = arith.constant 59375 : index
    %get3A_416 = vector.load %arg1[%get3A_412, %get3A_413, %get3A_414, %get3A_415] : memref<1x2x16x100000xf32, #tpu.memory_space<vmem>>, vector<1x1x16x3125xf32>
    %get3A_417 = vector.shape_cast %get3A_416 : vector<1x1x16x3125xf32> to vector<16x3125xf32>
    %get3A_418 = arith.constant 0 : index
    %get3A_419 = arith.constant 1 : index
    %get3A_420 = arith.constant 0 : index
    %get3A_421 = arith.constant 71875 : index
    %get3A_422 = vector.load %arg1[%get3A_418, %get3A_419, %get3A_420, %get3A_421] : memref<1x2x16x100000xf32, #tpu.memory_space<vmem>>, vector<1x1x16x3125xf32>
    %get3A_423 = vector.shape_cast %get3A_422 : vector<1x1x16x3125xf32> to vector<16x3125xf32>
    %get3A_424 = arith.constant 0 : index
    %get3A_425 = arith.constant 1 : index
    %get3A_426 = arith.constant 0 : index
    %get3A_427 = arith.constant 84375 : index
    %get3A_428 = vector.load %arg1[%get3A_424, %get3A_425, %get3A_426, %get3A_427] : memref<1x2x16x100000xf32, #tpu.memory_space<vmem>>, vector<1x1x16x3125xf32>
    %get3A_429 = vector.shape_cast %get3A_428 : vector<1x1x16x3125xf32> to vector<16x3125xf32>
    %get3A_430 = arith.constant 0 : index
    %get3A_431 = arith.constant 1 : index
    %get3A_432 = arith.constant 0 : index
    %get3A_433 = arith.constant 96875 : index
    %get3A_434 = vector.load %arg1[%get3A_430, %get3A_431, %get3A_432, %get3A_433] : memref<1x2x16x100000xf32, #tpu.memory_space<vmem>>, vector<1x1x16x3125xf32>
    %get3A_435 = vector.shape_cast %get3A_434 : vector<1x1x16x3125xf32> to vector<16x3125xf32>
    %concatenate3A_436 = tpu.concatenate %get3A_393, %get3A_399, %get3A_405, %get3A_411, %get3A_417, %get3A_423, %get3A_429, %get3A_435 in 0 : vector<16x3125xf32>, vector<16x3125xf32>, vector<16x3125xf32>, vector<16x3125xf32>, vector<16x3125xf32>, vector<16x3125xf32>, vector<16x3125xf32>, vector<16x3125xf32> -> vector<128x3125xf32>
    %transpose3A_437 = tpu.transpose %concatenate3A_436, [1, 0] : vector<128x3125xf32> -> vector<3125x128xf32>
    %swap3A_438 = arith.constant 0 : index
    %swap3A_439 = arith.constant 21875 : index
    %swap3A_440 = arith.constant 0 : index
    %swap3A_441 = vector.load %arg2[%swap3A_438, %swap3A_439, %swap3A_440] : memref<1x25000x128xf32, #tpu.memory_space<vmem>>, vector<1x3125x128xf32>
    %swap3A_442 = vector.shape_cast %swap3A_441 : vector<1x3125x128xf32> to vector<3125x128xf32>
    %swap3A_443 = vector.shape_cast %transpose3A_437 : vector<3125x128xf32> to vector<1x3125x128xf32>
    tpu.vector_store %arg2[%swap3A_438, %swap3A_439, %swap3A_440], %swap3A_443 {strides = array<i32>} : memref<1x25000x128xf32, #tpu.memory_space<vmem>>, vector<1x3125x128xf32>,
    return
  }
  func.func @transform_0(%arg0: i32) -> (i32, i32, i32, i32) {
    %c0_i32 = arith.constant 0 : i32
    %c0_i32_0 = arith.constant 0 : i32
    %c0_i32_1 = arith.constant 0 : i32
    %c0_i32_2 = arith.constant 0 : i32
    return %arg0, %c0_i32, %c0_i32_0, %c0_i32_1 : i32, i32, i32, i32
  }
  func.func @transform_1(%arg0: i32) -> (i32, i32, i32) {
    %c0_i32 = arith.constant 0 : i32
    %c0_i32_0 = arith.constant 0 : i32
    %c0_i32_1 = arith.constant 0 : i32
    return %arg0, %c0_i32, %c0_i32_0 : i32, i32, i32
  }
}

</mosaic_0001>

<sc_bundles>
// kernel: kernel.4.cloned.1.call-start
scs
__scs_entry_jumppad:
0x0: {  	(pc) =	sbr.rel $0x88, $3  }
0x1: {  	(tag) =	ssettag $0x0;
	lr =	simm.s32 $0x1  }
0x2: {  	[smem:$0x3F9F] =	sst lr;
	_ =	strace $0xD0000000  }
0x3: {  	_ = 	snop  }
0x4: {  	_ = 	snop  }
0x5: {  	_ = 	snop  }
0x6: {  	_ = 	snop  }
0x7: {  	_ = 	snop  }
__scs_overlays_trampoline_lowered:
0x8: {  	[smem:$0x3FAE] =	sst s0  }
0x9: {  	[smem:$0x3FAF] =	sst s1  }
0xa: {  	[smem:$0x3FB0] =	sst s2  }
0xb: {  	[smem:$0x3FB1] =	sst s3  }
0xc: {  	[smem:$0x3FB2] =	sst s4  }
0xd: {  	[smem:$0x3FB3] =	sst s5  }
0xe: {  	[smem:$0x3FB4] =	sst s6  }
0xf: {  	[smem:$0x3FB5] =	sst s7  }
0x10: {  	[smem:$0x3FB6] =	sst s8  }
0x11: {  	[smem:$0x3FB7] =	sst s9;
	s0 =	simm.s32 @!p0 $0x0  }
0x12: {  	s1 =	sld [smem:$0x3F9D];
	s0 =	simm.s32 @p0 $0x1  }
0x13: {  	[smem:$0x3FB8] =	sst s0;
	s0 =	simm.s32 @!p1 $0x0  }
0x14: {  	s2 =	sld [smem:$0x3F9C];
	s0 =	simm.s32 @p1 $0x1  }
0x15: {  	[smem:$0x3FB9] =	sst s0;
	s0 =	simm.s32 @!p2 $0x0  }
0x16: {  	s3 =	sld [smem:$0x3FDB];
	s0 =	simm.s32 @p2 $0x1  }
0x17: {  	s4 =	simm.s32 $0x1BF5;
	[smem:$0x3FBB] =	sst s0  }
0x18: {  	s0 =	sld [smem:$0x3F9E];
	_ =	swait.ge [sflag:s4], $0x0  }
0x19: {  	s7 =	sld [smem:$0x3F9F]  }
0x1a: {  	s8 =	sadd.s32 $0xFFFFE003, lr  }
0x1b: {  	s9 =	sadd.s32 $0xFFFFFEF7, lr;
	s5 =	simm.s32 $0xFFFFFFFF;
	p2 =	slt.u32 s8, $0xFFFFF086  }
0x1c: {  	p1 =	slt.u32 s9, $0xF7A;
	s5 =	simm.s32 @!p2 $0x0  }
0x1d: {  	s5 =	simm.s32 @p1 $0x1;
	p0 =	seq.s32 s7, s2  }
0x1e: {  	s7 =	smul.u32 @!p0 $0xF7A, s2;
	p2 =	seq.s32 @!p0 s5, $0x0  }
0x1f: {  	s9 =	smul.u32 $0xF7A, s1;
	s8 =	simm.s32 @!p0 $0x1BF5;
	p2 =	por !p2, p0  }
0x20: {  	[sflag:s8] =	ssyncset.s32 @!p0 $0xFFFFF086;
	s6 =	sadd.s32 @!p0 s3, s7;
	s7 =	simm.s32 @!p0 $0x108  }
0x21: {  	s3 =	sadd.s32 s3, s9;
	s6 =	sadd.s32 @!p0 $0x88, s6;
	s7 =	simm.s32 @p2 $0x1082  }
0x22: {  	[simem:s7], [sflag:s8] =	dma.local @!p0 [hbm:s6], $0xF7A  }
0x23: {  	s9 =	sor.u32 $0xD0000000, s2;
	s6 =	simm.s32 $0x108;
	_ =	swait.ge @!p0 [sflag:s8], $0x0  }
0x24: {  	s3 =	sadd.s32 $0x88, s3;
	s6 =	simm.s32 @!p1 $0x1082;
	[sflag:s4] =	ssyncset.s32 $0xFFFFF086  }
0x25: {  	[simem:s6], [sflag:s4] =	dma.local [hbm:s3], $0xF7A  }
0x26: {  	[smem:$0x3F9F] =	sst s1;
	(tag) =	ssettag s2;
	_ =	strace s9  }
0x27: {  	s1 =	sld [smem:$0x3FAF]  }
0x28: {  	s2 =	sld [smem:$0x3FB0]  }
0x29: {  	s4 =	sld [smem:$0x3FB2]  }
0x2a: {  	p0 =	seq.s32 s5, $0x0;
	s5 =	sld [smem:$0x3FB3]  }
0x2b: {  	s6 =	sld [smem:$0x3FB4]  }
0x2c: {  	s7 =	sld [smem:$0x3FB5]  }
0x2d: {  	s3 =	simm.s32 $0x108;
	s8 =	sld [smem:$0x3FB6]  }
0x2e: {  	s3 =	simm.s32 @!p0 $0x1082;
	s9 =	sld [smem:$0x3FB7]  }
0x2f: {  	lr =	sadd.s32 s0, s3;
	s0 =	sld [smem:$0x3FAE]  }
0x30: {  	s3 =	sld [smem:$0x3FB1]  }
0x31: {  	[smem:$0x3FBA] =	sst s10  }
0x32: {  	s10 =	sld [smem:$0x3FB8];
	_ =	sdelay $0x3  }
0x33: {  	p0 =	seq.s32 s10, $0x1;
	s10 =	sld [smem:$0x3FBA];
	_ =	sdelay $0x3  }
0x34: {  	[smem:$0x3FBA] =	sst s10  }
0x35: {  	s10 =	sld [smem:$0x3FB9];
	_ =	sdelay $0x3  }
0x36: {  	p1 =	seq.s32 s10, $0x1;
	s10 =	sld [smem:$0x3FBA];
	_ =	sdelay $0x3  }
0x37: {  	[smem:$0x3FBA] =	sst s10  }
0x38: {  	s10 =	sld [smem:$0x3FBB]  }
0x39: {  	_ = 	snop;
	(pc) =	sbr.ind lr, $3  }
0x3a: {  	_ = 	snop  }
0x3b: {  	_ = 	snop  }
0x3c: {  	p2 =	seq.s32 s10, $0x1;
	s10 =	sld [smem:$0x3FBA]  }
0x3d: {  	_ =	shalt  }
0x3e: {  	_ =	shalt  }
0x3f: {  	_ =	shalt  }
0x40: {  	_ =	shalt  }
0x41: {  	_ =	shalt  }
0x42: {  	_ =	shalt  }
0x43: {  	_ =	shalt  }
0x44: {  	_ =	shalt  }
0x45: {  	_ =	shalt  }
0x46: {  	_ =	shalt  }
0x47: {  	_ =	shalt  }
0x48: {  	_ =	shalt  }
0x49: {  	_ =	shalt  }
0x4a: {  	_ =	shalt  }
0x4b: {  	_ =	shalt  }
0x4c: {  	_ =	shalt  }
0x4d: {  	_ =	shalt  }
0x4e: {  	_ =	shalt  }
0x4f: {  	_ =	shalt  }
0x50: {  	_ =	shalt  }
0x51: {  	_ =	shalt  }
0x52: {  	_ =	shalt  }
0x53: {  	_ =	shalt  }
0x54: {  	_ =	shalt  }
0x55: {  	_ =	shalt  }
0x56: {  	_ =	shalt  }
0x57: {  	_ =	shalt  }
0x58: {  	_ =	shalt  }
0x59: {  	_ =	shalt  }
0x5a: {  	_ =	shalt  }
0x5b: {  	_ =	shalt  }
0x5c: {  	_ =	shalt  }
0x5d: {  	_ =	shalt  }
0x5e: {  	_ =	shalt  }
0x5f: {  	_ =	shalt  }
0x60: {  	_ =	shalt  }
0x61: {  	_ =	shalt  }
0x62: {  	_ =	shalt  }
0x63: {  	_ =	shalt  }
0x64: {  	_ =	shalt  }
0x65: {  	_ =	shalt  }
0x66: {  	_ =	shalt  }
0x67: {  	_ =	shalt  }
0x68: {  	_ =	shalt  }
0x69: {  	_ =	shalt  }
0x6a: {  	_ =	shalt  }
0x6b: {  	_ =	shalt  }
0x6c: {  	_ =	shalt  }
0x6d: {  	_ =	shalt  }
0x6e: {  	_ =	shalt  }
0x6f: {  	_ =	shalt  }
0x70: {  	_ =	shalt  }
0x71: {  	_ =	shalt  }
0x72: {  	_ =	shalt  }
0x73: {  	_ =	shalt  }
0x74: {  	_ =	shalt  }
0x75: {  	_ =	shalt  }
0x76: {  	_ =	shalt  }
0x77: {  	_ =	shalt  }
0x78: {  	_ =	shalt  }
0x79: {  	_ =	shalt  }
0x7a: {  	_ =	shalt  }
0x7b: {  	_ =	shalt  }
0x7c: {  	_ =	shalt  }
0x7d: {  	_ =	shalt  }
0x7e: {  	_ =	shalt  }
0x7f: {  	_ =	shalt  }
0x80: {  	_ =	shalt  }
0x81: {  	_ =	shalt  }
0x82: {  	_ =	shalt  }
0x83: {  	_ =	shalt  }
0x84: {  	_ =	shalt  }
0x85: {  	_ =	shalt  }
0x86: {  	_ =	shalt  }
0x87: {  	_ =	shalt  }
.Lfunc_end0:
.L_simem_size_0:
called_computation_lowered:
.L_overlay_start_0:
0x88: {  	s2 =	sld [smem:$0x3FD9]  }
0x89: {  	s3 =	sld [smem:$0x3FFE];
	_ =	sdelay $0x1  }
0x8a: {  	s1 =	srdreg.scid  }
0x8b: {  	s0 =	sand.u32 $0x1, s1  }
0x8c: {  	s17 =	sshll.u32 s0, $0xA;
	s2 =	sadd.s32 s3, s2  }
0x8d: {  	s2 =	sadd.s32 s2, s17  }
0x8e: {  	[smem:$0x3FC6] =	sst s2  }
0x8f: {  	_ = 	snop  }
0x90: {  	s2 =	sld [smem:$0x3FD0];
	(tm) =	ssettm $0x1  }
0x91: {  	s18 =	sld [smem:$0x3FFB];
	_ =	sdelay $0x3  }
0x92: {  	_ =	strace s18  }
0x93: {  	s3 =	sld [smem:$0x3FFC];
	_ =	sdelay $0x3  }
0x94: {  	_ =	strace s3  }
0x95: {  	s3 =	sld [smem:$0x3FFD];
	_ =	sdelay $0x3  }
0x96: {  	_ =	strace s3  }
0x97: {  	_ =	strace $0x8FFFFFFF  }
0x98: {  	s19 =	sld [smem:$0x3FDB];
	_ =	sdelay $0x1  }
0x99: {  	s4 =	simm.s32 $_scs_section_size  }
0x9a: {  	s5 =	simm.s32 $_size__tile_overlayer_lowered;
	s6 =	simm.s32 $_tile_overlayer_lowered  }
0x9b: {  	s22 =	simm.s32 $0x1BFF;
	s21 =	sshll.u32 s6, $0x1;
	s3 =	sadd.s32 s4, s19  }
0x9c: {  	s7 =	simm.s32 $0x0;
	s20 =	sshll.u32 s5, $0x1;
	s5 =	sadd.s32 s21, s3  }
0x9d: {  	[timem:s7], [sflag:s22] =	dma.local [hbm:s5], s20  }
0x9e: {  	_ =	swait.ge [sflag:s22], s20  }
0x9f: {  	s4 =	ssub.s32 $0x0, s20;
	[sflag:s22] =	ssyncset.done $0x0  }
0xa0: {  	[sflag:s22] =	ssyncadd.s32 s4;
	_ =	sdelay $0x1  }
0xa1: {  	s23 =	simm.s32 $0x1B8B  }
0xa2: {  	_ =	swait.ge [sflag:s23], $0x1  }
0xa3: {  	[sflag:s23] =	ssyncset.done $0x0  }
0xa4: {  	s25 =	simm.s32 $0x1B8E;
	s24 =	sld [smem:$0x3FFE];
	[sflag:s23] =	ssyncadd.s32 $0xFFFFFFFF  }
0xa5: {  	s26 =	simm.s32 $execute0_lowered;
	[smem:$0x3FD2] =	sst s25  }
0xa6: {  	s5 =	sshll.u32 s26, $0x1;
	_ =	strace $0x80000046;
	[dreg:$0x1] =	wrdreg $0xFFFFFFFF  }
0xa7: {  	s28 =	simm.s32 $_size_execute0_lowered;
	s3 =	sadd.s32 s3, s5;
	[dreg:$0x0] =	wrdreg $0x0  }
0xa8: {  	s5 =	sshll.u32 s28, $0x1;
	[dreg:$0x2] =	wrdreg s3  }
0xa9: {  	[dreg:$0x3] =	wrdreg s5  }
0xaa: {  	[dreg:$0x4] =	wrdreg $0xC0  }
0xab: {  	_ =	task [dreg:s7], $0x5FFFF  }
0xac: {  	[dreg:$0x1] =	wrdreg $0xFFFFFFFF  }
0xad: {  	[dreg:$0x0] =	wrdreg $0x60  }
0xae: {  	[dreg:$0x2] =	wrdreg s24  }
0xaf: {  	[dreg:$0x3] =	wrdreg s2  }
0xb0: {  	[dreg:$0x4] =	wrdreg $0x9  }
0xb1: {  	_ =	task.clear_ibuf [dreg:s7], $0x5FFFF;
	_ =	strace $0x90000046  }
0xb2: {  	s29 =	simm.s32 $0x9;
	_ =	strace $0x8000004F  }
0xb3: {  	_ =	swait.ge [sflag:s29], $0x1  }
0xb4: {  	[sflag:s29] =	ssyncadd.s32 $0xFFFFFFFF  }
0xb5: {  	_ =	strace $0x9000004F  }
0xb6: {  	_ =	sfence  }
0xb7: {  	s30 =	sld [smem:$0x0];
	_ =	sdelay $0x2  }
0xb8: {  	s31 =	sshll.u32 s1, $0xD;
	s1 =	sshrl.u32 s1, $0x2  }
0xb9: {  	s3 =	sand.u32 $0x4000, s31;
	s1 =	sadd.s32 s1, s30  }
0xba: {  	s0 =	sor.u32 s3, s0;
	s1 =	sshll.u32 s1, $0x11  }
0xbb: {  	s0 =	sor.u32 s1, s0  }
0xbc: {  	s0 =	sadd.s32 $0x8F2B, s0  }
0xbd: {  	[sflag:s0] =	ssyncadd.remote.s32 $0x1  }
0xbe: {  	_ =	sfence.sel $0xFFFF  }
0xbf: {  	[dreg:$0x0] =	wrdreg $0xFFFFFFFF;
	(pc) =	sbr.abs _section_cstart, $3  }
0xc0: {  	[dreg:$0x1] =	wrdreg $0xFFFFFFFF  }
0xc1: {  	_ =	task.clear_ibuf [dreg:s7], $0x2FFFF;
	_ =	strace $0x9FFFFFFF  }
0xc2: {  	(tm) =	ssettm $0x7FFFFFFF  }
0xc3: {  	_ =	shalt  }
tec
execute0_lowered:
.L_overlay_start_1:
0x0: {  	(tag) =	ssettag $0x1  }
0x1: {  	s4 =	rddreg [dreg:$0x0]  }
0x2: {  	s0 =	rddreg [dreg:$0x1];
	s1 =	srdreg.scid;
	s2 =	simm.s32 $0x0  }
0x3: {  	s31 =	stileid.u32;
	s9 =	simm.s32 $0x80;
	s10 =	simm.s32 $0x5  }
0x4: {  	s11 =	simm.s32 $0x4;
	[dreg:$0x3] =	wrdreg s0;
	s3 =	sand.u32 $0x1, s1  }
0x5: {  	s12 =	simm.s32 $0x0;
	[smem:$0x7FF] =	sst s2;
	s5 =	sshll.u32 s3, $0x4  }
0x6: {  	_ =	strace $0x80000047;
	s6 =	ssub.s32 $0x2, s3;
	s5 =	sor.u32 s31, s5  }
0x7: {  	s3 =	sadd.s32 $0xD400, s4;
	s8 =	sshrl.u32 s6, $0x1;
	s7 =	smul.u32 $0x680, s5  }
0x8: {  	s4 =	sadd.s32 $0x400, s4;
	s8 =	ssub.s32 s6, s8;
	s5 =	smul.u32 $0x34, s5  }
0x9: {  	s6 =	sadd.s32 s4, s7;
	s7 =	smax.u32 s8, $0x1;
	s8 =	simm.s32 $0x1  }
.LBB2_1:
0xa: {  	_ =	strace $0x80000048;
	s14 =	simm.s32 $0x1;
	p0 =	por $0x0, $0x0  }
0xb: {  	[tilespmem:s2], [sflag:$0x1] =	stream.linear.gather [hbm4b:s6+s2], $0x100, $0x200038;
	[tilespmem:$0x2200] =	vst v63  }
0xc: {  	s14 =	simm.s32 @p0 $0x0  }
0xd: {  	p1 =	por $0x1, $0x1;
	p0 =	sne.s32 s14, $0x0  }
0xe: {  	p1 =	por !p1, !p0  }
0xf: {  	s22 =	sand.u32 $0x1, s2;
	p1 =	por !p1, !p1  }
0x10: {  	s18 =	simm.s32 $0x1;
	s25 =	simm.s32 $0x0;
	s13 =	sadd.s32 @p1 s5, s14  }
0x11: {  	_ =	strace $0x90000048;
	s15 =	sand.u32 @p1 $0x1, s8;
	s13 =	sshll.u32 @p1 s13, $0x5  }
0x12: {  	s16 =	simm.s32 @p1 $0x0;
	_ =	strace @p1 $0x80000049;
	s13 =	sand.u32 @p1 $0x1FFFFFE0, s13  }
0x13: {  	s17 =	sshll.u32 @p1 s15, $0x8;
	s15 =	sadd.s32 @p1 $0x1, s15;
	s13 =	sadd.s32 @p1 s4, s13  }
0x14: {  	[tilespmem:s17], [sflag:s15] =	stream.linear.gather @p1 [hbm4b:s13+s16], $0x100, $0x200038;
	[tilespmem:$0x2200] =	vst v63  }
0x15: {  	p2 =	por $0x0, $0x0;
	p6 =	por $0x1, $0x1;
	_ =	strace @p1 $0x90000049  }
0x16: {  	s24 =	sadd.s32 $0x1, s22;
	s26 =	sshll.u32 s22, $0xC;
	_ =	strace $0x8000004A  }
0x17: {  	s21 =	simm.s32 $0x0;
	s23 =	sor.u32 $0x200, s26;
	_ =	swait.ge [sflag:s24], $0x100  }
0x18: {  	s19 =	sor.u32 $0xA00, s26;
	p3 =	por p2, p0;
	[sflag:s24] =	ssyncset.done $0x0  }
0x19: {  	s30 =	simm.s32 @p3 $0x0;
	s18 =	simm.s32 @!p1 $0x0;
	[sflag:s24] =	ssyncadd.s32 $0xFFFFFF00  }
0x1a: {  	s20 =	sadd.s32 $0x1, s18;
	s13 =	simm.s32 $0x33;
	_ =	strace $0x9000004A  }
0x1b: {  	s15 =	sand.u32 $0x100, s25;
	s17 =	simm.s32 $0x32;
	_ =	strace $0x8000004B  }
0x1c: {  	[tilespmem:s23], [sflag:$0x5] =	stream.indirect.gather [hbm4b:s3+s9], $0x10, s15, s9, $0x2000b8;
	[tilespmem:$0x2200] =	vst v63  }
0x1d: {  	s16 =	simm.s32 $0x1;
	p1 =	por $0x0, $0x0;
	_ =	swait.ge [sflag:s10], $0x800  }
0x1e: {  	s16 =	simm.s32 @!p1 $0x0;
	p1 =	por $0x1, $0x1;
	[sflag:s10] =	ssyncset.done $0x0  }
0x1f: {  	s18 =	sand.u32 @!p1 $0x1, s2;
	s15 =	sor.u32 $0x80, s15;
	[sflag:s10] =	ssyncadd.s32 $0xFFFFF800  }
0x20: {  	[tilespmem:s19], [sflag:$0x5] =	stream.indirect.gather [hbm4b:s3+s9], $0x10, s15, s9, $0x2000b8;
	[tilespmem:$0x2200] =	vst v63  }
0x21: {  	s26 =	sadd.s32 @!p1 $0x3, s18;
	s19 =	sadd.s32 $0x1, s14;
	_ =	swait.ge [sflag:s10], $0x800  }
0x22: {  	s18 =	simm.s32 $0x0;
	p0 =	seq.s32 s19, $0x34;
	[sflag:s10] =	ssyncset.done $0x0  }
0x23: {  	s24 =	simm.s32 $0x1;
	s19 =	simm.s32 @p0 $0x0;
	[sflag:s10] =	ssyncadd.s32 $0xFFFFF800  }
0x24: {  	s15 =	sadd.s32 $0x0, s5;
	p0 =	sne.s32 s14, s19;
	_ =	strace $0x9000004B  }
0x25: {  	s25 =	sshll.u32 @p3 s15, $0x9;
	p2 =	por !p6, !p0;
	_ =	strace @p3 $0x8000004C  }
0x26: {  	s15 =	simm.s32 $0x0;
	p2 =	por !p2, !p2;
	s31 =	rddreg [dreg:$0x3]  }
0x27: {  	s29 =	sand.u32 @p2 $0x1, s20;
	s28 =	sadd.s32 @p2 s5, s19;
	s24 =	simm.s32 @!p2 $0x0  }
.LBB2_2:
0x28: {  	s0 =	sshll.u32 @p2 s28, $0x5  }
0x29: {  	s22 =	sadd.s32 @p3 $0x3, s22;
	s1 =	sand.u32 @p3 $0x1FFFFE00, s25;
	s25 =	smov.u32 s13  }
0x2a: {  	s13 =	smov.u32 s17;
	s28 =	smov.u32 s14;
	s1 =	sadd.s32 @p3 s31, s1  }
0x2b: {  	[hbm4b:s1+s30] =	stream.linear.scatter @p3 [tilespmem:s23], [sflag:s22], $0x1000, $0x200038;
	[tilespmem:$0x2200] =	vst v63  }
0x2c: {  	s14 =	simm.s32 $0x1;
	s17 =	sadd.s32 $0xFFFFFFFF, s17;
	_ =	strace @p3 $0x9000004C  }
0x2d: {  	s15 =	sadd.s32 s16, s15;
	s16 =	simm.s32 @p2 $0x0;
	_ =	strace @!p1 $0x8000004D  }
0x2e: {  	s20 =	sadd.s32 s24, s20;
	s24 =	simm.s32 $0x1;
	_ =	swait.ge @!p1 [sflag:s26], $0x1000  }
0x2f: {  	s0 =	sand.u32 @p2 $0x1FFFFFE0, s0;
	s14 =	simm.s32 @!p3 $0x0;
	[sflag:s26] =	ssyncset.done @!p1 $0x0  }
0x30: {  	p4 =	sne.s32 s17, $0x0;
	p5 =	seq.s32 s25, $0x1;
	[sflag:s26] =	ssyncadd.s32 @!p1 $0xFFFFF000  }
0x31: {  	s0 =	sadd.s32 @p2 s4, s0;
	s21 =	sadd.s32 s14, s21;
	_ =	strace @!p1 $0x9000004D  }
0x32: {  	s22 =	sshll.u32 @p2 s29, $0x8;
	s23 =	sadd.s32 @p2 $0x1, s29;
	_ =	strace @p2 $0x80000049  }
0x33: {  	[tilespmem:s22], [sflag:s23] =	stream.linear.gather @p2 [hbm4b:s0+s16], $0x100, $0x200038;
	[tilespmem:$0x2200] =	vst v63  }
0x34: {  	p6 =	sne.s32 s13, $0x1;
	s1 =	sand.u32 $0x1, s21;
	_ =	strace @p2 $0x90000049  }
0x35: {  	s18 =	sadd.s32 s14, s18;
	s1 =	sadd.s32 $0x1, s1;
	_ =	strace $0x8000004A  }
0x36: {  	s14 =	smov.u32 s19;
	s19 =	sadd.s32 $0x1, s19;
	_ =	swait.ge [sflag:s1], $0x100  }
0x37: {  	s30 =	sshll.u32 s21, $0x8;
	p3 =	por p5, p0;
	[sflag:s1] =	ssyncset.done $0x0  }
0x38: {  	p0 =	seq.s32 s19, $0x34;
	s22 =	sand.u32 $0x1, s18;
	[sflag:s1] =	ssyncadd.s32 $0xFFFFFF00  }
0x39: {  	s19 =	simm.s32 @p0 $0x0;
	s16 =	sshll.u32 s22, $0xC;
	_ =	strace $0x9000004A  }
0x3a: {  	s26 =	sand.u32 $0x100, s30;
	s23 =	sor.u32 $0x200, s16;
	_ =	strace $0x8000004B  }
0x3b: {  	[tilespmem:s23], [sflag:$0x5] =	stream.indirect.gather [hbm4b:s3+s9], $0x10, s26, s9, $0x2000b8;
	[tilespmem:$0x2200] =	vst v63  }
0x3c: {  	p0 =	sne.s32 s14, s19;
	s30 =	simm.s32 @p3 $0x0;
	_ =	swait.ge [sflag:s10], $0x800  }
0x3d: {  	p2 =	sne.s32 s25, $0x34;
	s0 =	sor.u32 $0xA00, s16;
	[sflag:s10] =	ssyncset.done $0x0  }
0x3e: {  	s16 =	simm.s32 $0x1;
	s1 =	sor.u32 $0x80, s26;
	[sflag:s10] =	ssyncadd.s32 $0xFFFFF800  }
0x3f: {  	[tilespmem:s0], [sflag:$0x5] =	stream.indirect.gather [hbm4b:s3+s9], $0x10, s1, s9, $0x2000b8;
	[tilespmem:$0x2200] =	vst v63  }
0x40: {  	s16 =	simm.s32 @!p2 $0x0;
	p2 =	por !p6, !p0;
	_ =	swait.ge [sflag:s10], $0x800  }
.Ltmp0:
0x41: {  	p2 =	por !p2, !p2;
	[sflag:s10] =	ssyncset.done $0x0;
	(pc) =	sbr.rel @p4 .LBB2_2-.Ltmp0, $4  }
0x42: {  	p1 =	seq.s32 s25, $0x34;
	s29 =	sand.u32 @p2 $0x1, s20;
	[sflag:s10] =	ssyncadd.s32 $0xFFFFF800  }
0x43: {  	s24 =	simm.s32 @!p2 $0x0;
	s0 =	sadd.s32 s5, s28;
	_ =	strace $0x9000004B  }
0x44: {  	s1 =	sand.u32 @!p1 $0x1, s15;
	s28 =	sadd.s32 @p2 s5, s19;
	_ =	strace @p3 $0x8000004C  }
0x45: {  	s26 =	sadd.s32 @!p1 $0x3, s1;
	s25 =	sshll.u32 @p3 s0, $0x9;
	s31 =	rddreg [dreg:$0x3]  }
0x46: {  	s0 =	sand.u32 @p3 $0x1FFFFE00, s25  }
0x47: {  	s1 =	sadd.s32 @p3 $0x3, s22;
	s0 =	sadd.s32 @p3 s31, s0  }
0x48: {  	[hbm4b:s0+s30] =	stream.linear.scatter @p3 [tilespmem:s23], [sflag:s1], $0x1000, $0x200038;
	[tilespmem:$0x2200] =	vst v63  }
0x49: {  	_ =	strace @p3 $0x9000004C  }
0x4a: {  	_ =	strace @!p1 $0x8000004D  }
0x4b: {  	s19 =	simm.s32 @p2 $0x0;
	_ =	swait.ge @!p1 [sflag:s26], $0x1000  }
0x4c: {  	s20 =	sshll.u32 @p2 s29, $0x8;
	s0 =	sshll.u32 @p2 s28, $0x5;
	[sflag:s26] =	ssyncset.done @!p1 $0x0  }
0x4d: {  	s1 =	simm.s32 $0x1;
	s0 =	sand.u32 @p2 $0x1FFFFFE0, s0;
	[sflag:s26] =	ssyncadd.s32 @!p1 $0xFFFFF000  }
0x4e: {  	s1 =	simm.s32 @!p3 $0x0;
	s0 =	sadd.s32 @p2 s4, s0;
	_ =	strace @!p1 $0x9000004D  }
0x4f: {  	s17 =	sadd.s32 s1, s21;
	s21 =	sadd.s32 @p2 $0x1, s29;
	_ =	strace @p2 $0x80000049  }
0x50: {  	[tilespmem:s20], [sflag:s21] =	stream.linear.gather @p2 [hbm4b:s0+s19], $0x100, $0x200038;
	[tilespmem:$0x2200] =	vst v63  }
0x51: {  	s29 =	sand.u32 $0x1, s17;
	_ =	strace @p2 $0x90000049  }
0x52: {  	s0 =	sadd.s32 $0x1, s29;
	_ =	strace $0x8000004A  }
0x53: {  	_ =	swait.ge [sflag:s0], $0x100  }
0x54: {  	s1 =	sadd.s32 s1, s18;
	[sflag:s0] =	ssyncset.done $0x0  }
0x55: {  	[sflag:s0] =	ssyncadd.s32 $0xFFFFFF00;
	s0 =	sand.u32 $0x1, s1  }
0x56: {  	s30 =	sshll.u32 s17, $0x8;
	_ =	strace $0x9000004A;
	s31 =	sshll.u32 s0, $0xC  }
0x57: {  	s1 =	sand.u32 $0x100, s30;
	_ =	strace $0x8000004B;
	s18 =	sor.u32 $0x200, s31  }
0x58: {  	[tilespmem:s18], [sflag:$0x5] =	stream.indirect.gather [hbm4b:s3+s9], $0x10, s1, s9, $0x2000b8;
	[tilespmem:$0x2200] =	vst v63  }
0x59: {  	_ =	swait.ge [sflag:s10], $0x800  }
0x5a: {  	[sflag:s10] =	ssyncset.done $0x0  }
0x5b: {  	s17 =	sor.u32 $0xA00, s31;
	s1 =	sor.u32 $0x80, s1;
	[sflag:s10] =	ssyncadd.s32 $0xFFFFF800  }
0x5c: {  	[tilespmem:s17], [sflag:$0x5] =	stream.indirect.gather [hbm4b:s3+s9], $0x10, s1, s9, $0x2000b8;
	[tilespmem:$0x2200] =	vst v63  }
0x5d: {  	_ =	swait.ge [sflag:s10], $0x800  }
0x5e: {  	[sflag:s10] =	ssyncset.done $0x0  }
0x5f: {  	p6 =	seq.s32 s13, $0x1;
	[sflag:s10] =	ssyncadd.s32 $0xFFFFF800  }
0x60: {  	p0 =	por p6, p0;
	s1 =	sadd.s32 s5, s14;
	_ =	strace $0x9000004B  }
0x61: {  	s15 =	sadd.s32 s16, s15;
	s1 =	sshll.u32 @p0 s1, $0x9;
	_ =	strace @p0 $0x8000004C  }
0x62: {  	p1 =	seq.s32 s13, $0x34;
	s1 =	sand.u32 @p0 $0x1FFFFE00, s1;
	s14 =	rddreg [dreg:$0x3]  }
0x63: {  	s13 =	simm.s32 @p0 $0x0;
	s0 =	sadd.s32 @p0 $0x3, s0;
	s1 =	sadd.s32 @p0 s14, s1  }
0x64: {  	[hbm4b:s1+s13] =	stream.linear.scatter @p0 [tilespmem:s18], [sflag:s0], $0x1000, $0x200038;
	[tilespmem:$0x2200] =	vst v63  }
0x65: {  	s0 =	sand.u32 @!p1 $0x1, s15;
	_ =	strace @p0 $0x9000004C  }
0x66: {  	s0 =	sadd.s32 @!p1 $0x3, s0;
	_ =	strace @!p1 $0x8000004D  }
0x67: {  	_ =	swait.ge @!p1 [sflag:s0], $0x1000  }
0x68: {  	[sflag:s0] =	ssyncset.done @!p1 $0x0  }
0x69: {  	s12 =	sadd.s32 $0x1, s12;
	[sflag:s0] =	ssyncadd.s32 @!p1 $0xFFFFF000  }
0x6a: {  	p0 =	sne.s32 s12, s7;
	_ =	strace @!p1 $0x9000004D  }
.Ltmp1:
0x6b: {  	_ =	strace $0x8000004E;
	(pc) =	sbr.rel @p0 .LBB2_1-.Ltmp1, $4  }
0x6c: {  	_ =	swait.ge [sflag:s11], $0x1000  }
0x6d: {  	[sflag:s11] =	ssyncset.done $0x0  }
0x6e: {  	[sflag:s11] =	ssyncadd.s32 $0xFFFFF000  }
0x6f: {  	_ =	strace $0x9000004E  }
0x70: {  	_ =	sfence.sel $0x180000  }
0x71: {  	[bflag:$0x0] =	sbarrier.arrive $0xFFFF  }
0x72: {  	_ =	strace $0x90000047  }
0x73: {  	s0 =	stileid.u32;
	[bflag:$0x2] =	sbarrier.arrive $0xFFFF  }
0x74: {  	p0 =	sne.s32 s0, $0x0;
	s0 =	rddreg [dreg:$0x2]  }
0x75: {  	s0 =	sadd.s32 @!p0 $0x100000, s0  }
0x76: {  	[sflag:s0] =	ssyncadd.tile.s32 @!p0 $0x1;
	_ =	shalt  }
.Lfunc_end2:
_tile_overlayer_lowered:
.L_overlay_start_2:
0x77: {  	(tag) =	ssettag $0x2  }
0x78: {  	s0 =	rddreg [dreg:$0x0];
	s2 =	stileid.u32  }
0x79: {  	s1 =	rddreg [dreg:$0x1];
	p0 =	sne.s32 s2, $0x0  }
0x7a: {  	s3 =	rddreg [dreg:$0x2];
	[bflag:$0x3] =	sbarrier.arrive $0xFFFF;
	s2 =	simm.s32 @!p0 $0x1C01  }
0x7b: {  	[timem:s3], [sflag:s2] =	dma.local @!p0 [hbm:s0], s1  }
0x7c: {  	s0 =	simm.s32 @!p0 $0x1  }
0x7d: {  	_ =	swait.ge @!p0 [sflag:s0], s1  }
0x7e: {  	s1 =	ssub.s32 @!p0 $0x0, s1;
	[sflag:s0] =	ssyncset.done @!p0 $0x0  }
0x7f: {  	[sflag:s0] =	ssyncadd.s32 @!p0 s1  }
0x80: {  	[bflag:$0x3] =	sbarrier.arrive $0xFFFF  }
0x81: {  	_ =	shalt  }

</sc_bundles>
